<compile_context>
chip_gen: v7x
topology: tpu7x:2x2x1
jax: 0.10.2.dev20260603
libtpu: 0.0.44.dev20260713+nightly
codegen_flags: <defaults>
</compile_context>

<pallas_src>
import functools

import jax
import jax.numpy as jnp
from jax import lax
from jax.experimental import pallas as pl
from jax.experimental.pallas import tpu as pltpu
from jax.experimental.pallas import tpu_sc as plsc


def _make_sc_col_gather(n_class, b, k):
    info = plsc.get_sparse_core_info()
    nc, ns = info.num_cores, info.num_subcores
    nw = nc * ns
    kpw = k // nw
    nchunk = b // 128
    mesh = plsc.VectorSubcoreMesh(core_axis_name="c", subcore_axis_name="s")

    @functools.partial(
        pl.kernel, mesh=mesh,
        out_type=jax.ShapeDtypeStruct((k, b), jnp.float32),
        scratch_types=[
            pltpu.VMEM((16,), jnp.int32),
            pltpu.VMEM((b,), jnp.int32),
            pltpu.VMEM((b,), jnp.float32),
            pltpu.SemaphoreType.DMA,
        ],
    )
    def gather(flat_hbm, idx16_hbm, out_hbm, id16_v, idxs_v, col_v, sem):
        wid = lax.axis_index("s") * nc + lax.axis_index("c")
        base = wid * kpw

        def per_class(ci, carry):
            lanes = lax.iota(jnp.int32, 16)
            pltpu.sync_copy(idx16_hbm.at[pl.ds((base + ci) * 16, 16)],
                            id16_v)
            idvec = id16_v[...]

            def build(j, c2):
                idxs_v[pl.ds(j * 16, 16)] = ((lanes + j * 16) * n_class
                                             + idvec)
                return c2
            lax.fori_loop(0, b // 16, build, 0)

            copies = [
                pltpu.async_copy(
                    flat_hbm.at[idxs_v.at[pl.ds(j * 128, 128)]],
                    col_v.at[pl.ds(j * 128, 128)], sem)
                for j in range(nchunk)
            ]
            for cp in copies:
                cp.wait()
            pltpu.sync_copy(col_v, out_hbm.at[base + ci])
            return carry

        lax.fori_loop(0, kpw, per_class, 0)

    return gather


def _update_body(idx_ref, amu_ref, asc_ref, qmu_ref, qsc_ref, colr_ref,
                 impu_ref, coe_ref, omu_ref, osc_ref):
    del amu_ref, asc_ref
    n_mu = qmu_ref.shape[1]
    b = colr_ref.shape[2]
    d = impu_ref.shape[1]
    n = n_mu + b
    npad = ((n + 127) // 128) * 128

    fill = jnp.full((1, npad - n), -1.0, jnp.float32)
    s = jnp.concatenate([qsc_ref[0], colr_ref[0], fill], axis=1)

    ch = 128
    ident = (lax.broadcasted_iota(jnp.int32, (ch, ch), 0) ==
             lax.broadcasted_iota(jnp.int32, (ch, ch), 1)
             ).astype(jnp.float32)
    ones_row = jnp.ones((1, ch), jnp.float32)
    diff = (lax.broadcasted_iota(jnp.int32, (ch, npad), 1) -
            lax.broadcasted_iota(jnp.int32, (ch, npad), 0))
    s_ib = jnp.broadcast_to(s, (ch, npad))
    rank = jnp.zeros((1, npad), jnp.float32)
    for jc in range(npad // ch):
        s_chunk = s[:, jc * ch:(jc + 1) * ch]
        s_j = lax.dot_general(ident, s_chunk, (((1,), (1,)), ((), ())),
                              precision=lax.Precision.HIGHEST)
        s_jb = jnp.broadcast_to(s_j, (ch, npad))
        lt = diff > jc * ch
        contrib = jnp.where(s_jb > s_ib, 1.0,
                            jnp.where((s_jb == s_ib) & lt, 1.0, 0.0))
        rank = rank + lax.dot_general(ones_row, contrib,
                                      (((1,), (0,)), ((), ())))

    rr = lax.broadcasted_iota(jnp.int32, (n_mu, npad), 0)
    rank_i = rank.astype(jnp.int32)
    P = (jnp.broadcast_to(rank_i, (n_mu, npad)) == rr).astype(jnp.float32)

    new_sc = lax.dot_general(s, P, (((1,), (1,)), ((), ())),
                             precision=lax.Precision.HIGHEST)

    qmu = qmu_ref[0]
    zpad = jnp.zeros((npad - n, d), jnp.float32)
    cmu = jnp.concatenate([qmu, impu_ref[...], zpad], axis=0)
    smu = lax.dot_general(P, cmu, (((1,), (0,)), ((), ())),
                          precision=lax.Precision.HIGHEST)

    coe = coe_ref[0]
    omu_ref[0] = (1.0 - coe) * qmu + coe * smu
    osc_ref[0] = new_sc


def kernel(cls_mu_queue, cls_sc_queue, inp_mu, inp_sc, cls_idx, coe):
    n_class, n_mu, d = cls_mu_queue.shape
    b = inp_mu.shape[0]
    k = cls_idx.shape[0]

    sc_r = cls_sc_queue.reshape(n_class, 1, n_mu)
    ids_rep = jnp.broadcast_to(cls_idx[:, None], (k, 16)).reshape(-1)
    g_col = _make_sc_col_gather(n_class, b, k)(inp_sc.reshape(-1), ids_rep)
    col_r = g_col.reshape(k, 1, b)
    coe_arr = jnp.reshape(coe, (1,)).astype(jnp.float32)

    grid_spec = pltpu.PrefetchScalarGridSpec(
        num_scalar_prefetch=1,
        grid=(k,),
        in_specs=[
            pl.BlockSpec(memory_space=pl.ANY),
            pl.BlockSpec(memory_space=pl.ANY),
            pl.BlockSpec((1, n_mu, d), lambda i, idx: (idx[i], 0, 0)),
            pl.BlockSpec((1, 1, n_mu), lambda i, idx: (idx[i], 0, 0)),
            pl.BlockSpec((1, 1, b), lambda i, idx: (i, 0, 0)),
            pl.BlockSpec((b, d), lambda i, idx: (0, 0)),
            pl.BlockSpec(memory_space=pltpu.SMEM),
        ],
        out_specs=[
            pl.BlockSpec((1, n_mu, d), lambda i, idx: (idx[i], 0, 0)),
            pl.BlockSpec((1, 1, n_mu), lambda i, idx: (idx[i], 0, 0)),
        ],
    )
    mu_q, sc_out = pl.pallas_call(
        _update_body,
        grid_spec=grid_spec,
        out_shape=[
            jax.ShapeDtypeStruct((n_class, n_mu, d), jnp.float32),
            jax.ShapeDtypeStruct((n_class, 1, n_mu), jnp.float32),
        ],
        input_output_aliases={1: 0, 2: 1},
    )(cls_idx, cls_mu_queue, sc_r, cls_mu_queue, sc_r, col_r, inp_mu,
      coe_arr)
    return mu_q, sc_out.reshape(n_class, n_mu)

# --- scband reference (transcript-rebuilt; emitter-appended) ---
"""Pipeline reference for scband-memory-9380208575356 (READ-ONLY COPY).

The authoritative reference and input builder live on the scoring server;
editing this copy changes nothing except your own understanding.
"""

import jax, jax.numpy as jnp
import numpy as np

N_CLASS = 10000
N_MU = 64
D = 128
B = 1024
K = 256

def setup_inputs(seed: int = 0) -> dict:
    key = jax.random.key(seed)
    k1, k2, k3, k4, k5, k6 = jax.random.split(key, 6)
    inp_mu = jax.random.normal(k1, (B, D), dtype=jnp.float32)
    inp_sc = jax.random.uniform(k2, (B, N_CLASS), dtype=jnp.float32)
    cls_idx = jax.random.randint(k3, (K,), 0, N_CLASS, dtype=jnp.int32)
    coe = jax.random.uniform(k4, (), dtype=jnp.float32)
    # persistent memory buffers (registered buffers in the torch module);
    # initialized nonzero so the sort/merge is nontrivial
    cls_mu_queue = jax.random.normal(k5, (N_CLASS, N_MU, D), dtype=jnp.float32) * 0.02
    cls_sc_queue = jax.random.uniform(k6, (N_CLASS, N_MU), dtype=jnp.float32)
    return {
        "cls_mu_queue": cls_mu_queue,
        "cls_sc_queue": cls_sc_queue,
        "inp_mu": inp_mu,
        "inp_sc": inp_sc,
        "cls_idx": cls_idx,
        "coe": coe,
    }

def reference(cls_mu_queue, cls_sc_queue, inp_mu, inp_sc, cls_idx, coe):
    # Faithful translation of Memory._update_queue / _sort_permutation:
    # for each class idx: concat queue scores with incoming scores for that
    # class, sort descending, keep top n_mu entries, EMA-update the mu queue
    # and overwrite the score queue; then scatter results back into the buffers.
    n_mu = cls_mu_queue.shape[1]

    def per_class(idx):
        concat_sc = jnp.concatenate([cls_sc_queue[idx], inp_sc[:, idx]], axis=0)
        concat_mu = jnp.concatenate([cls_mu_queue[idx], inp_mu], axis=0)
        order = jnp.argsort(-concat_sc)  # descending sort indices
        top = order[:n_mu]
        sorted_mu = jnp.take(concat_mu, top, axis=0)
        sorted_sc = jnp.take(concat_sc, top, axis=0)
        new_mu = (1.0 - coe) * cls_mu_queue[idx] + coe * sorted_mu
        return new_mu, sorted_sc

    new_mus, new_scs = jax.vmap(per_class)(cls_idx)
    mu_q = cls_mu_queue.at[cls_idx].set(new_mus)
    sc_q = cls_sc_queue.at[cls_idx].set(new_scs)
    return mu_q, sc_q

if __name__ == "__main__":
    import jax
    _d = setup_inputs()
    print(jax.jit(kernel)(*tuple(_d.values())))

</pallas_src>

<mosaic_0001>
#map = affine_map<(d0, d1) -> (0)>
#map1 = affine_map<(d0, d1) -> (0, 0)>
module attributes {stable_mosaic.version = 14 : i64} {
  func.func @gather(%arg0: i32, %arg1: i32, %arg2: memref<10240000xf32, #tpu.memory_space<hbm>>, %arg3: memref<4096xi32, #tpu.memory_space<hbm>>, %arg4: memref<256x1024xf32, #tpu.memory_space<hbm>>, %arg5: memref<16xi32, #tpu.memory_space<vmem>>, %arg6: memref<1024xi32, #tpu.memory_space<vmem>>, %arg7: memref<1024xf32, #tpu.memory_space<vmem>>, %arg8: memref<!tpu.dma_semaphore, #tpu.memory_space<semaphore_mem>>) attributes {dimension_semantics = [#tpu.dimension_semantics<core_parallel>, #tpu.dimension_semantics<subcore_parallel>], iteration_bounds = array<i64: 2, 16>, scalar_prefetch = 0 : i64, scratch_operands = 4 : i64, tpu.core_type = #tpu.core_type<sc_vector_subcore>, window_params = [{transform_indices = #map}, {transform_indices = #map}, {transform_indices = #map1}]} {
    %mul3A = arith.constant 2 : i32
    %mul3A_0 = arith.muli %arg1, %mul3A : i32
    %add3A = arith.addi %mul3A_0, %arg0 : i32
    %mul3A_1 = arith.constant 8 : i32
    %mul3A_2 = arith.muli %add3A, %mul3A_1 : i32
    %scan3A = arith.constant 0 : i32
    %scan3A_3 = arith.constant 0 : i32
    %scan3A_4 = arith.constant 8 : i32
    %scan3A_5 = arith.addi %scan3A_3, %scan3A_4 : i32
    %scan3A_6 = arith.constant 1 : i32
    scf.for %scan3A_8 = %scan3A_3 to %scan3A_5 step %scan3A_6  : i32 {
      %iota3A = tpu.iota {dimensions = array<i32: 0>} : vector<16xi32>
      %add3A_9 = arith.addi %mul3A_2, %scan3A_8 : i32
      %mul3A_10 = arith.constant 16 : i32
      %mul3A_11 = arith.muli %add3A_9, %mul3A_10 : i32
      "tpu.region"() ({
        %run_scoped3A = tpu.sem_alloc : memref<!tpu.dma_semaphore, #tpu.memory_space<semaphore_mem>>
        %dma_start3A_115 = tpu.memref_slice %arg3[%mul3A_11] : memref<4096xi32, #tpu.memory_space<hbm>> -> memref<16xi32, #tpu.memory_space<hbm>>
        %dma_start3A_116 = tpu.memref_slice %arg3[%mul3A_11] : memref<4096xi32, #tpu.memory_space<hbm>> -> memref<16xi32, #tpu.memory_space<hbm>>
        tpu.enqueue_dma source(%dma_start3A_116 : memref<16xi32, #tpu.memory_space<hbm>>) target(%arg5 : memref<16xi32, #tpu.memory_space<vmem>>) target_semaphore(%run_scoped3A : memref<!tpu.dma_semaphore, #tpu.memory_space<semaphore_mem>>)
        %dma_wait3A_117 = tpu.memref_slice %arg3[%mul3A_11] : memref<4096xi32, #tpu.memory_space<hbm>> -> memref<16xi32, #tpu.memory_space<hbm>>
        %dma_wait3A_118 = tpu.memref_slice %arg3[%mul3A_11] : memref<4096xi32, #tpu.memory_space<hbm>> -> memref<16xi32, #tpu.memory_space<hbm>>
        tpu.wait_dma2 semaphore(%run_scoped3A : memref<!tpu.dma_semaphore, #tpu.memory_space<semaphore_mem>>) src(%dma_wait3A_118 : memref<16xi32, #tpu.memory_space<hbm>>) dst(%arg5 : memref<16xi32, #tpu.memory_space<vmem>>)
        tpu.yield
      }) : () -> ()
      %get3A = arith.constant 0 : index
      %get3A_12 = tpu.vector_load %arg5[%get3A] {strides = array<i32>} : memref<16xi32, #tpu.memory_space<vmem>>, vector<16xi32>,
      %get3A_13 = vector.shape_cast %get3A_12 : vector<16xi32> to vector<16xi32>
      %scan3A_14 = arith.constant 0 : i32
      %scan3A_15 = arith.constant 0 : i32
      %scan3A_16 = arith.constant 64 : i32
      %scan3A_17 = arith.addi %scan3A_15, %scan3A_16 : i32
      %scan3A_18 = arith.constant 1 : i32
      scf.for %scan3A_115 = %scan3A_15 to %scan3A_17 step %scan3A_18  : i32 {
        %mul3A_116 = arith.constant 16 : i32
        %mul3A_117 = arith.muli %scan3A_115, %mul3A_116 : i32
        %add3A_118 = vector.broadcast %mul3A_117 : i32 to vector<16xi32>
        %add3A_119 = arith.addi %iota3A, %add3A_118 : vector<16xi32>
        %mul3A_120 = arith.constant 10000 : i32
        %mul3A_121 = vector.broadcast %mul3A_120 : i32 to vector<16xi32>
        %mul3A_122 = arith.muli %add3A_119, %mul3A_121 : vector<16xi32>
        %add3A_123 = arith.addi %mul3A_122, %get3A_13 : vector<16xi32>
        %mul3A_124 = arith.constant 16 : i32
        %mul3A_125 = arith.muli %scan3A_115, %mul3A_124 : i32
        %swap3A = arith.index_cast %mul3A_125 : i32 to index
        %swap3A_126 = tpu.vector_load %arg6[%swap3A] {strides = array<i32>} : memref<1024xi32, #tpu.memory_space<vmem>>, vector<16xi32>,
        %swap3A_127 = vector.shape_cast %swap3A_126 : vector<16xi32> to vector<16xi32>
        %swap3A_128 = vector.shape_cast %add3A_123 : vector<16xi32> to vector<16xi32>
        tpu.vector_store %arg6[%swap3A], %swap3A_128 {strides = array<i32>} : memref<1024xi32, #tpu.memory_space<vmem>>, vector<16xi32>,
      }
      %scan3A_19 = arith.constant 64 : i32
      %dma_start3A = arith.constant 0 : i32
      %dma_start3A_20 = tpu.memref_slice %arg7[%dma_start3A] : memref<1024xf32, #tpu.memory_space<vmem>> -> memref<128xf32, #tpu.memory_space<vmem>>
      %dma_start3A_21 = arith.constant 0 : i32
      %dma_start3A_22 = tpu.memref_slice %arg6[%dma_start3A_21] : memref<1024xi32, #tpu.memory_space<vmem>> -> memref<128xi32, #tpu.memory_space<vmem>>
      %dma_start3A_23 = arith.constant 0 : i32
      %dma_start3A_24 = tpu.memref_slice %arg2[%dma_start3A_23] : memref<10240000xf32, #tpu.memory_space<hbm>> -> memref<10240000xf32, #tpu.memory_space<hbm>>
      tpu.enqueue_indirect_dma source(%dma_start3A_24 : memref<10240000xf32, #tpu.memory_space<hbm>>) target(%dma_start3A_20 : memref<128xf32, #tpu.memory_space<vmem>>) offsets(%dma_start3A_22 : memref<128xi32, #tpu.memory_space<vmem>>) semaphore(%arg8 : memref<!tpu.dma_semaphore, #tpu.memory_space<semaphore_mem>>)
      %dma_start3A_25 = arith.constant 128 : i32
      %dma_start3A_26 = tpu.memref_slice %arg7[%dma_start3A_25] : memref<1024xf32, #tpu.memory_space<vmem>> -> memref<128xf32, #tpu.memory_space<vmem>>
      %dma_start3A_27 = arith.constant 128 : i32
      %dma_start3A_28 = tpu.memref_slice %arg6[%dma_start3A_27] : memref<1024xi32, #tpu.memory_space<vmem>> -> memref<128xi32, #tpu.memory_space<vmem>>
      %dma_start3A_29 = arith.constant 0 : i32
      %dma_start3A_30 = tpu.memref_slice %arg2[%dma_start3A_29] : memref<10240000xf32, #tpu.memory_space<hbm>> -> memref<10240000xf32, #tpu.memory_space<hbm>>
      tpu.enqueue_indirect_dma source(%dma_start3A_30 : memref<10240000xf32, #tpu.memory_space<hbm>>) target(%dma_start3A_26 : memref<128xf32, #tpu.memory_space<vmem>>) offsets(%dma_start3A_28 : memref<128xi32, #tpu.memory_space<vmem>>) semaphore(%arg8 : memref<!tpu.dma_semaphore, #tpu.memory_space<semaphore_mem>>)
      %dma_start3A_31 = arith.constant 256 : i32
      %dma_start3A_32 = tpu.memref_slice %arg7[%dma_start3A_31] : memref<1024xf32, #tpu.memory_space<vmem>> -> memref<128xf32, #tpu.memory_space<vmem>>
      %dma_start3A_33 = arith.constant 256 : i32
      %dma_start3A_34 = tpu.memref_slice %arg6[%dma_start3A_33] : memref<1024xi32, #tpu.memory_space<vmem>> -> memref<128xi32, #tpu.memory_space<vmem>>
      %dma_start3A_35 = arith.constant 0 : i32
      %dma_start3A_36 = tpu.memref_slice %arg2[%dma_start3A_35] : memref<10240000xf32, #tpu.memory_space<hbm>> -> memref<10240000xf32, #tpu.memory_space<hbm>>
      tpu.enqueue_indirect_dma source(%dma_start3A_36 : memref<10240000xf32, #tpu.memory_space<hbm>>) target(%dma_start3A_32 : memref<128xf32, #tpu.memory_space<vmem>>) offsets(%dma_start3A_34 : memref<128xi32, #tpu.memory_space<vmem>>) semaphore(%arg8 : memref<!tpu.dma_semaphore, #tpu.memory_space<semaphore_mem>>)
      %dma_start3A_37 = arith.constant 384 : i32
      %dma_start3A_38 = tpu.memref_slice %arg7[%dma_start3A_37] : memref<1024xf32, #tpu.memory_space<vmem>> -> memref<128xf32, #tpu.memory_space<vmem>>
      %dma_start3A_39 = arith.constant 384 : i32
      %dma_start3A_40 = tpu.memref_slice %arg6[%dma_start3A_39] : memref<1024xi32, #tpu.memory_space<vmem>> -> memref<128xi32, #tpu.memory_space<vmem>>
      %dma_start3A_41 = arith.constant 0 : i32
      %dma_start3A_42 = tpu.memref_slice %arg2[%dma_start3A_41] : memref<10240000xf32, #tpu.memory_space<hbm>> -> memref<10240000xf32, #tpu.memory_space<hbm>>
      tpu.enqueue_indirect_dma source(%dma_start3A_42 : memref<10240000xf32, #tpu.memory_space<hbm>>) target(%dma_start3A_38 : memref<128xf32, #tpu.memory_space<vmem>>) offsets(%dma_start3A_40 : memref<128xi32, #tpu.memory_space<vmem>>) semaphore(%arg8 : memref<!tpu.dma_semaphore, #tpu.memory_space<semaphore_mem>>)
      %dma_start3A_43 = arith.constant 512 : i32
      %dma_start3A_44 = tpu.memref_slice %arg7[%dma_start3A_43] : memref<1024xf32, #tpu.memory_space<vmem>> -> memref<128xf32, #tpu.memory_space<vmem>>
      %dma_start3A_45 = arith.constant 512 : i32
      %dma_start3A_46 = tpu.memref_slice %arg6[%dma_start3A_45] : memref<1024xi32, #tpu.memory_space<vmem>> -> memref<128xi32, #tpu.memory_space<vmem>>
      %dma_start3A_47 = arith.constant 0 : i32
      %dma_start3A_48 = tpu.memref_slice %arg2[%dma_start3A_47] : memref<10240000xf32, #tpu.memory_space<hbm>> -> memref<10240000xf32, #tpu.memory_space<hbm>>
      tpu.enqueue_indirect_dma source(%dma_start3A_48 : memref<10240000xf32, #tpu.memory_space<hbm>>) target(%dma_start3A_44 : memref<128xf32, #tpu.memory_space<vmem>>) offsets(%dma_start3A_46 : memref<128xi32, #tpu.memory_space<vmem>>) semaphore(%arg8 : memref<!tpu.dma_semaphore, #tpu.memory_space<semaphore_mem>>)
      %dma_start3A_49 = arith.constant 640 : i32
      %dma_start3A_50 = tpu.memref_slice %arg7[%dma_start3A_49] : memref<1024xf32, #tpu.memory_space<vmem>> -> memref<128xf32, #tpu.memory_space<vmem>>
      %dma_start3A_51 = arith.constant 640 : i32
      %dma_start3A_52 = tpu.memref_slice %arg6[%dma_start3A_51] : memref<1024xi32, #tpu.memory_space<vmem>> -> memref<128xi32, #tpu.memory_space<vmem>>
      %dma_start3A_53 = arith.constant 0 : i32
      %dma_start3A_54 = tpu.memref_slice %arg2[%dma_start3A_53] : memref<10240000xf32, #tpu.memory_space<hbm>> -> memref<10240000xf32, #tpu.memory_space<hbm>>
      tpu.enqueue_indirect_dma source(%dma_start3A_54 : memref<10240000xf32, #tpu.memory_space<hbm>>) target(%dma_start3A_50 : memref<128xf32, #tpu.memory_space<vmem>>) offsets(%dma_start3A_52 : memref<128xi32, #tpu.memory_space<vmem>>) semaphore(%arg8 : memref<!tpu.dma_semaphore, #tpu.memory_space<semaphore_mem>>)
      %dma_start3A_55 = arith.constant 768 : i32
      %dma_start3A_56 = tpu.memref_slice %arg7[%dma_start3A_55] : memref<1024xf32, #tpu.memory_space<vmem>> -> memref<128xf32, #tpu.memory_space<vmem>>
      %dma_start3A_57 = arith.constant 768 : i32
      %dma_start3A_58 = tpu.memref_slice %arg6[%dma_start3A_57] : memref<1024xi32, #tpu.memory_space<vmem>> -> memref<128xi32, #tpu.memory_space<vmem>>
      %dma_start3A_59 = arith.constant 0 : i32
      %dma_start3A_60 = tpu.memref_slice %arg2[%dma_start3A_59] : memref<10240000xf32, #tpu.memory_space<hbm>> -> memref<10240000xf32, #tpu.memory_space<hbm>>
      tpu.enqueue_indirect_dma source(%dma_start3A_60 : memref<10240000xf32, #tpu.memory_space<hbm>>) target(%dma_start3A_56 : memref<128xf32, #tpu.memory_space<vmem>>) offsets(%dma_start3A_58 : memref<128xi32, #tpu.memory_space<vmem>>) semaphore(%arg8 : memref<!tpu.dma_semaphore, #tpu.memory_space<semaphore_mem>>)
      %dma_start3A_61 = arith.constant 896 : i32
      %dma_start3A_62 = tpu.memref_slice %arg7[%dma_start3A_61] : memref<1024xf32, #tpu.memory_space<vmem>> -> memref<128xf32, #tpu.memory_space<vmem>>
      %dma_start3A_63 = arith.constant 896 : i32
      %dma_start3A_64 = tpu.memref_slice %arg6[%dma_start3A_63] : memref<1024xi32, #tpu.memory_space<vmem>> -> memref<128xi32, #tpu.memory_space<vmem>>
      %dma_start3A_65 = arith.constant 0 : i32
      %dma_start3A_66 = tpu.memref_slice %arg2[%dma_start3A_65] : memref<10240000xf32, #tpu.memory_space<hbm>> -> memref<10240000xf32, #tpu.memory_space<hbm>>
      tpu.enqueue_indirect_dma source(%dma_start3A_66 : memref<10240000xf32, #tpu.memory_space<hbm>>) target(%dma_start3A_62 : memref<128xf32, #tpu.memory_space<vmem>>) offsets(%dma_start3A_64 : memref<128xi32, #tpu.memory_space<vmem>>) semaphore(%arg8 : memref<!tpu.dma_semaphore, #tpu.memory_space<semaphore_mem>>)
      %dma_wait3A = arith.constant 0 : i32
      %dma_wait3A_67 = tpu.memref_slice %arg7[%dma_wait3A] : memref<1024xf32, #tpu.memory_space<vmem>> -> memref<128xf32, #tpu.memory_space<vmem>>
      %dma_wait3A_68 = arith.constant 0 : i32
      %dma_wait3A_69 = tpu.memref_slice %arg6[%dma_wait3A_68] : memref<1024xi32, #tpu.memory_space<vmem>> -> memref<128xi32, #tpu.memory_space<vmem>>
      %dma_wait3A_70 = arith.constant 0 : i32
      %dma_wait3A_71 = tpu.memref_slice %arg2[%dma_wait3A_70] : memref<10240000xf32, #tpu.memory_space<hbm>> -> memref<10240000xf32, #tpu.memory_space<hbm>>
      tpu.wait_indirect_dma semaphore(%arg8 : memref<!tpu.dma_semaphore, #tpu.memory_space<semaphore_mem>>) src(%dma_wait3A_71 : memref<10240000xf32, #tpu.memory_space<hbm>>) dst(%dma_wait3A_67 : memref<128xf32, #tpu.memory_space<vmem>>)
      %dma_wait3A_72 = arith.constant 128 : i32
      %dma_wait3A_73 = tpu.memref_slice %arg7[%dma_wait3A_72] : memref<1024xf32, #tpu.memory_space<vmem>> -> memref<128xf32, #tpu.memory_space<vmem>>
      %dma_wait3A_74 = arith.constant 128 : i32
      %dma_wait3A_75 = tpu.memref_slice %arg6[%dma_wait3A_74] : memref<1024xi32, #tpu.memory_space<vmem>> -> memref<128xi32, #tpu.memory_space<vmem>>
      %dma_wait3A_76 = arith.constant 0 : i32
      %dma_wait3A_77 = tpu.memref_slice %arg2[%dma_wait3A_76] : memref<10240000xf32, #tpu.memory_space<hbm>> -> memref<10240000xf32, #tpu.memory_space<hbm>>
      tpu.wait_indirect_dma semaphore(%arg8 : memref<!tpu.dma_semaphore, #tpu.memory_space<semaphore_mem>>) src(%dma_wait3A_77 : memref<10240000xf32, #tpu.memory_space<hbm>>) dst(%dma_wait3A_73 : memref<128xf32, #tpu.memory_space<vmem>>)
      %dma_wait3A_78 = arith.constant 256 : i32
      %dma_wait3A_79 = tpu.memref_slice %arg7[%dma_wait3A_78] : memref<1024xf32, #tpu.memory_space<vmem>> -> memref<128xf32, #tpu.memory_space<vmem>>
      %dma_wait3A_80 = arith.constant 256 : i32
      %dma_wait3A_81 = tpu.memref_slice %arg6[%dma_wait3A_80] : memref<1024xi32, #tpu.memory_space<vmem>> -> memref<128xi32, #tpu.memory_space<vmem>>
      %dma_wait3A_82 = arith.constant 0 : i32
      %dma_wait3A_83 = tpu.memref_slice %arg2[%dma_wait3A_82] : memref<10240000xf32, #tpu.memory_space<hbm>> -> memref<10240000xf32, #tpu.memory_space<hbm>>
      tpu.wait_indirect_dma semaphore(%arg8 : memref<!tpu.dma_semaphore, #tpu.memory_space<semaphore_mem>>) src(%dma_wait3A_83 : memref<10240000xf32, #tpu.memory_space<hbm>>) dst(%dma_wait3A_79 : memref<128xf32, #tpu.memory_space<vmem>>)
      %dma_wait3A_84 = arith.constant 384 : i32
      %dma_wait3A_85 = tpu.memref_slice %arg7[%dma_wait3A_84] : memref<1024xf32, #tpu.memory_space<vmem>> -> memref<128xf32, #tpu.memory_space<vmem>>
      %dma_wait3A_86 = arith.constant 384 : i32
      %dma_wait3A_87 = tpu.memref_slice %arg6[%dma_wait3A_86] : memref<1024xi32, #tpu.memory_space<vmem>> -> memref<128xi32, #tpu.memory_space<vmem>>
      %dma_wait3A_88 = arith.constant 0 : i32
      %dma_wait3A_89 = tpu.memref_slice %arg2[%dma_wait3A_88] : memref<10240000xf32, #tpu.memory_space<hbm>> -> memref<10240000xf32, #tpu.memory_space<hbm>>
      tpu.wait_indirect_dma semaphore(%arg8 : memref<!tpu.dma_semaphore, #tpu.memory_space<semaphore_mem>>) src(%dma_wait3A_89 : memref<10240000xf32, #tpu.memory_space<hbm>>) dst(%dma_wait3A_85 : memref<128xf32, #tpu.memory_space<vmem>>)
      %dma_wait3A_90 = arith.constant 512 : i32
      %dma_wait3A_91 = tpu.memref_slice %arg7[%dma_wait3A_90] : memref<1024xf32, #tpu.memory_space<vmem>> -> memref<128xf32, #tpu.memory_space<vmem>>
      %dma_wait3A_92 = arith.constant 512 : i32
      %dma_wait3A_93 = tpu.memref_slice %arg6[%dma_wait3A_92] : memref<1024xi32, #tpu.memory_space<vmem>> -> memref<128xi32, #tpu.memory_space<vmem>>
      %dma_wait3A_94 = arith.constant 0 : i32
      %dma_wait3A_95 = tpu.memref_slice %arg2[%dma_wait3A_94] : memref<10240000xf32, #tpu.memory_space<hbm>> -> memref<10240000xf32, #tpu.memory_space<hbm>>
      tpu.wait_indirect_dma semaphore(%arg8 : memref<!tpu.dma_semaphore, #tpu.memory_space<semaphore_mem>>) src(%dma_wait3A_95 : memref<10240000xf32, #tpu.memory_space<hbm>>) dst(%dma_wait3A_91 : memref<128xf32, #tpu.memory_space<vmem>>)
      %dma_wait3A_96 = arith.constant 640 : i32
      %dma_wait3A_97 = tpu.memref_slice %arg7[%dma_wait3A_96] : memref<1024xf32, #tpu.memory_space<vmem>> -> memref<128xf32, #tpu.memory_space<vmem>>
      %dma_wait3A_98 = arith.constant 640 : i32
      %dma_wait3A_99 = tpu.memref_slice %arg6[%dma_wait3A_98] : memref<1024xi32, #tpu.memory_space<vmem>> -> memref<128xi32, #tpu.memory_space<vmem>>
      %dma_wait3A_100 = arith.constant 0 : i32
      %dma_wait3A_101 = tpu.memref_slice %arg2[%dma_wait3A_100] : memref<10240000xf32, #tpu.memory_space<hbm>> -> memref<10240000xf32, #tpu.memory_space<hbm>>
      tpu.wait_indirect_dma semaphore(%arg8 : memref<!tpu.dma_semaphore, #tpu.memory_space<semaphore_mem>>) src(%dma_wait3A_101 : memref<10240000xf32, #tpu.memory_space<hbm>>) dst(%dma_wait3A_97 : memref<128xf32, #tpu.memory_space<vmem>>)
      %dma_wait3A_102 = arith.constant 768 : i32
      %dma_wait3A_103 = tpu.memref_slice %arg7[%dma_wait3A_102] : memref<1024xf32, #tpu.memory_space<vmem>> -> memref<128xf32, #tpu.memory_space<vmem>>
      %dma_wait3A_104 = arith.constant 768 : i32
      %dma_wait3A_105 = tpu.memref_slice %arg6[%dma_wait3A_104] : memref<1024xi32, #tpu.memory_space<vmem>> -> memref<128xi32, #tpu.memory_space<vmem>>
      %dma_wait3A_106 = arith.constant 0 : i32
      %dma_wait3A_107 = tpu.memref_slice %arg2[%dma_wait3A_106] : memref<10240000xf32, #tpu.memory_space<hbm>> -> memref<10240000xf32, #tpu.memory_space<hbm>>
      tpu.wait_indirect_dma semaphore(%arg8 : memref<!tpu.dma_semaphore, #tpu.memory_space<semaphore_mem>>) src(%dma_wait3A_107 : memref<10240000xf32, #tpu.memory_space<hbm>>) dst(%dma_wait3A_103 : memref<128xf32, #tpu.memory_space<vmem>>)
      %dma_wait3A_108 = arith.constant 896 : i32
      %dma_wait3A_109 = tpu.memref_slice %arg7[%dma_wait3A_108] : memref<1024xf32, #tpu.memory_space<vmem>> -> memref<128xf32, #tpu.memory_space<vmem>>
      %dma_wait3A_110 = arith.constant 896 : i32
      %dma_wait3A_111 = tpu.memref_slice %arg6[%dma_wait3A_110] : memref<1024xi32, #tpu.memory_space<vmem>> -> memref<128xi32, #tpu.memory_space<vmem>>
      %dma_wait3A_112 = arith.constant 0 : i32
      %dma_wait3A_113 = tpu.memref_slice %arg2[%dma_wait3A_112] : memref<10240000xf32, #tpu.memory_space<hbm>> -> memref<10240000xf32, #tpu.memory_space<hbm>>
      tpu.wait_indirect_dma semaphore(%arg8 : memref<!tpu.dma_semaphore, #tpu.memory_space<semaphore_mem>>) src(%dma_wait3A_113 : memref<10240000xf32, #tpu.memory_space<hbm>>) dst(%dma_wait3A_109 : memref<128xf32, #tpu.memory_space<vmem>>)
      %add3A_114 = arith.addi %mul3A_2, %scan3A_8 : i32
      "tpu.region"() ({
        %run_scoped3A = tpu.sem_alloc : memref<!tpu.dma_semaphore, #tpu.memory_space<semaphore_mem>>
        %dma_start3A_115 = arith.constant 0 : i32
        %dma_start3A_116 = tpu.memref_slice %arg4[%add3A_114, %dma_start3A_115] : memref<256x1024xf32, #tpu.memory_space<hbm>> -> memref<1x1024xf32, #tpu.memory_space<hbm>>
        %dma_start3A_117 = tpu.memref_squeeze %dma_start3A_116 : memref<1x1024xf32, #tpu.memory_space<hbm>> -> memref<1024xf32, #tpu.memory_space<hbm>>
        %dma_start3A_118 = arith.constant 0 : i32
        %dma_start3A_119 = tpu.memref_slice %arg4[%add3A_114, %dma_start3A_118] : memref<256x1024xf32, #tpu.memory_space<hbm>> -> memref<1x1024xf32, #tpu.memory_space<hbm>>
        %dma_start3A_120 = tpu.memref_squeeze %dma_start3A_119 : memref<1x1024xf32, #tpu.memory_space<hbm>> -> memref<1024xf32, #tpu.memory_space<hbm>>
        tpu.enqueue_dma source(%arg7 : memref<1024xf32, #tpu.memory_space<vmem>>) target(%dma_start3A_120 : memref<1024xf32, #tpu.memory_space<hbm>>) target_semaphore(%run_scoped3A : memref<!tpu.dma_semaphore, #tpu.memory_space<semaphore_mem>>)
        %dma_wait3A_121 = arith.constant 0 : i32
        %dma_wait3A_122 = tpu.memref_slice %arg4[%add3A_114, %dma_wait3A_121] : memref<256x1024xf32, #tpu.memory_space<hbm>> -> memref<1x1024xf32, #tpu.memory_space<hbm>>
        %dma_wait3A_123 = tpu.memref_squeeze %dma_wait3A_122 : memref<1x1024xf32, #tpu.memory_space<hbm>> -> memref<1024xf32, #tpu.memory_space<hbm>>
        %dma_wait3A_124 = arith.constant 0 : i32
        %dma_wait3A_125 = tpu.memref_slice %arg4[%add3A_114, %dma_wait3A_124] : memref<256x1024xf32, #tpu.memory_space<hbm>> -> memref<1x1024xf32, #tpu.memory_space<hbm>>
        %dma_wait3A_126 = tpu.memref_squeeze %dma_wait3A_125 : memref<1x1024xf32, #tpu.memory_space<hbm>> -> memref<1024xf32, #tpu.memory_space<hbm>>
        tpu.wait_dma2 semaphore(%run_scoped3A : memref<!tpu.dma_semaphore, #tpu.memory_space<semaphore_mem>>) src(%arg7 : memref<1024xf32, #tpu.memory_space<vmem>>) dst(%dma_wait3A_126 : memref<1024xf32, #tpu.memory_space<hbm>>)
        tpu.yield
      }) : () -> ()
    }
    %scan3A_7 = arith.constant 8 : i32
    return
  }
}

module attributes {stable_mosaic.version = 14 : i64} {
  func.func @_update_body(%arg0: i32, %arg1: memref<256xi32, #tpu.memory_space<smem>>, %arg2: memref<10000x64x128xf32, #tpu.memory_space<any>>, %arg3: memref<10000x1x64xf32, #tpu.memory_space<any>>, %arg4: memref<1x64x128xf32, #tpu.memory_space<vmem>>, %arg5: memref<1x1x64xf32, #tpu.memory_space<vmem>>, %arg6: memref<1x1x1024xf32, #tpu.memory_space<vmem>>, %arg7: memref<1024x128xf32, #tpu.memory_space<vmem>>, %arg8: memref<1xf32, #tpu.memory_space<smem>>, %arg9: memref<1x64x128xf32, #tpu.memory_space<vmem>>, %arg10: memref<1x1x64xf32, #tpu.memory_space<vmem>>) attributes {dimension_semantics = [#tpu.dimension_semantics<arbitrary>], iteration_bounds = array<i64: 256>, scalar_prefetch = 1 : i64, scratch_operands = 0 : i64, tpu.core_type = #tpu.core_type<tc>, window_params = [{}, {}, {transform_indices = @transform_2, window_bounds = array<i64: 1, 64, 128>}, {transform_indices = @transform_3, window_bounds = array<i64: 1, 1, 64>}, {transform_indices = @transform_4, window_bounds = array<i64: 1, 1, 1024>}, {pipeline_mode = #tpu.pipeline_mode<synchronous>, transform_indices = @transform_5, window_bounds = array<i64: 1024, 128>}, {transform_indices = @transform_6, window_bounds = array<i64: 1>}, {transform_indices = @transform_7, window_bounds = array<i64: 1, 64, 128>}, {transform_indices = @transform_8, window_bounds = array<i64: 1, 1, 64>}]} {
    %broadcast_in_dim3A = arith.constant -1.000000e+00 : f32
    %broadcast_in_dim3A_0 = vector.broadcast %broadcast_in_dim3A : f32 to vector<1x64xf32>
    %get3A = arith.constant 0 : index
    %get3A_1 = arith.constant 0 : index
    %get3A_2 = arith.constant 0 : index
    %get3A_3 = vector.load %arg5[%get3A, %get3A_1, %get3A_2] : memref<1x1x64xf32, #tpu.memory_space<vmem>>, vector<1x1x64xf32>
    %get3A_4 = vector.shape_cast %get3A_3 : vector<1x1x64xf32> to vector<1x64xf32>
    %get3A_5 = arith.constant 0 : index
    %get3A_6 = arith.constant 0 : index
    %get3A_7 = arith.constant 0 : index
    %get3A_8 = vector.load %arg6[%get3A_5, %get3A_6, %get3A_7] : memref<1x1x1024xf32, #tpu.memory_space<vmem>>, vector<1x1x1024xf32>
    %get3A_9 = vector.shape_cast %get3A_8 : vector<1x1x1024xf32> to vector<1x1024xf32>
    %concatenate3A = tpu.concatenate %get3A_4, %get3A_9, %broadcast_in_dim3A_0 in 1 : vector<1x64xf32>, vector<1x1024xf32>, vector<1x64xf32> -> vector<1x1152xf32>
    %iota3A = tpu.iota {dimensions = array<i32: 0>} : vector<128x128xi32>
    %iota3A_10 = tpu.iota {dimensions = array<i32: 1>} : vector<128x128xi32>
    %eq3A = arith.cmpi eq, %iota3A, %iota3A_10 : vector<128x128xi32>
    %convert_element_type3A = arith.extui %eq3A : vector<128x128xi1> to vector<128x128xi32>
    %convert_element_type3A_11 = arith.sitofp %convert_element_type3A : vector<128x128xi32> to vector<128x128xf32>
    %broadcast_in_dim3A_12 = arith.constant 1.000000e+00 : f32
    %broadcast_in_dim3A_13 = vector.broadcast %broadcast_in_dim3A_12 : f32 to vector<1x128xf32>
    %iota3A_14 = tpu.iota {dimensions = array<i32: 1>} : vector<128x1152xi32>
    %iota3A_15 = tpu.iota {dimensions = array<i32: 0>} : vector<128x1152xi32>
    %sub3A = arith.subi %iota3A_14, %iota3A_15 : vector<128x1152xi32>
    %broadcast_in_dim3A_16 = vector.shape_cast %concatenate3A : vector<1x1152xf32> to vector<1x1152xf32>
    %broadcast_in_dim3A_17 = vector.broadcast %broadcast_in_dim3A_16 : vector<1x1152xf32> to vector<128x1152xf32>
    %broadcast_in_dim3A_18 = arith.constant 0.000000e+00 : f32
    %broadcast_in_dim3A_19 = vector.broadcast %broadcast_in_dim3A_18 : f32 to vector<1x1152xf32>
    %slice3A = vector.extract_strided_slice %concatenate3A {offsets = [0, 0], sizes = [1, 128], strides = [1, 1]} : vector<1x1152xf32> to vector<1x128xf32>
    %dot_general3A = arith.constant dense<0.000000e+00> : vector<128x1xf32>
    %dot_general3A_20 = tpu.matmul %convert_element_type3A_11, %slice3A, %dot_general3A {dimension_numbers = #tpu.dot_dimension_numbers<[1], [1], [0], [0], [0, 0, 1, 0], [], []>, precision = #tpu.contract_precision<fp32>, transpose_lhs_hint = false} : vector<128x128xf32>, vector<1x128xf32>, vector<128x1xf32> -> vector<128x1xf32>
    %broadcast_in_dim3A_21 = vector.shape_cast %dot_general3A_20 : vector<128x1xf32> to vector<128x1xf32>
    %broadcast_in_dim3A_22 = vector.broadcast %broadcast_in_dim3A_21 : vector<128x1xf32> to vector<128x1152xf32>
    %gt3A = arith.constant 0 : i32
    %gt3A_23 = vector.broadcast %gt3A : i32 to vector<128x1152xi32>
    %gt3A_24 = arith.cmpi sgt, %sub3A, %gt3A_23 : vector<128x1152xi32>
    %gt3A_25 = arith.cmpf ogt, %broadcast_in_dim3A_22, %broadcast_in_dim3A_17 : vector<128x1152xf32>
    %eq3A_26 = arith.cmpf oeq, %broadcast_in_dim3A_22, %broadcast_in_dim3A_17 : vector<128x1152xf32>
    %and3A = arith.andi %eq3A_26, %gt3A_24 : vector<128x1152xi1>
    %jit3A = arith.constant 1.000000e+00 : f32
    %jit3A_27 = arith.constant 0.000000e+00 : f32
    %broadcast_in_dim3A_28 = vector.broadcast %jit3A : f32 to vector<128x1152xf32>
    %broadcast_in_dim3A_29 = vector.broadcast %jit3A_27 : f32 to vector<128x1152xf32>
    %select_n3A = arith.select %and3A, %broadcast_in_dim3A_28, %broadcast_in_dim3A_29 : vector<128x1152xi1>, vector<128x1152xf32>
    %jit3A_30 = arith.constant 1.000000e+00 : f32
    %broadcast_in_dim3A_31 = vector.broadcast %jit3A_30 : f32 to vector<128x1152xf32>
    %select_n3A_32 = arith.select %gt3A_25, %broadcast_in_dim3A_31, %select_n3A : vector<128x1152xi1>, vector<128x1152xf32>
    %dot_general3A_33 = arith.constant dense<0.000000e+00> : vector<1x1152xf32>
    %dot_general3A_34 = tpu.matmul %broadcast_in_dim3A_13, %select_n3A_32, %dot_general3A_33 {dimension_numbers = #tpu.dot_dimension_numbers<[1], [0], [0], [1], [0, 0, 1, 1], [], []>, transpose_lhs_hint = false} : vector<1x128xf32>, vector<128x1152xf32>, vector<1x1152xf32> -> vector<1x1152xf32>
    %add3A = arith.addf %broadcast_in_dim3A_19, %dot_general3A_34 : vector<1x1152xf32>
    %slice3A_35 = vector.extract_strided_slice %concatenate3A {offsets = [0, 128], sizes = [1, 128], strides = [1, 1]} : vector<1x1152xf32> to vector<1x128xf32>
    %dot_general3A_36 = arith.constant dense<0.000000e+00> : vector<128x1xf32>
    %dot_general3A_37 = tpu.matmul %convert_element_type3A_11, %slice3A_35, %dot_general3A_36 {dimension_numbers = #tpu.dot_dimension_numbers<[1], [1], [0], [0], [0, 0, 1, 0], [], []>, precision = #tpu.contract_precision<fp32>, transpose_lhs_hint = false} : vector<128x128xf32>, vector<1x128xf32>, vector<128x1xf32> -> vector<128x1xf32>
    %broadcast_in_dim3A_38 = vector.shape_cast %dot_general3A_37 : vector<128x1xf32> to vector<128x1xf32>
    %broadcast_in_dim3A_39 = vector.broadcast %broadcast_in_dim3A_38 : vector<128x1xf32> to vector<128x1152xf32>
    %gt3A_40 = arith.constant 128 : i32
    %gt3A_41 = vector.broadcast %gt3A_40 : i32 to vector<128x1152xi32>
    %gt3A_42 = arith.cmpi sgt, %sub3A, %gt3A_41 : vector<128x1152xi32>
    %gt3A_43 = arith.cmpf ogt, %broadcast_in_dim3A_39, %broadcast_in_dim3A_17 : vector<128x1152xf32>
    %eq3A_44 = arith.cmpf oeq, %broadcast_in_dim3A_39, %broadcast_in_dim3A_17 : vector<128x1152xf32>
    %and3A_45 = arith.andi %eq3A_44, %gt3A_42 : vector<128x1152xi1>
    %jit3A_46 = arith.constant 1.000000e+00 : f32
    %jit3A_47 = arith.constant 0.000000e+00 : f32
    %broadcast_in_dim3A_48 = vector.broadcast %jit3A_46 : f32 to vector<128x1152xf32>
    %broadcast_in_dim3A_49 = vector.broadcast %jit3A_47 : f32 to vector<128x1152xf32>
    %select_n3A_50 = arith.select %and3A_45, %broadcast_in_dim3A_48, %broadcast_in_dim3A_49 : vector<128x1152xi1>, vector<128x1152xf32>
    %jit3A_51 = arith.constant 1.000000e+00 : f32
    %broadcast_in_dim3A_52 = vector.broadcast %jit3A_51 : f32 to vector<128x1152xf32>
    %select_n3A_53 = arith.select %gt3A_43, %broadcast_in_dim3A_52, %select_n3A_50 : vector<128x1152xi1>, vector<128x1152xf32>
    %dot_general3A_54 = arith.constant dense<0.000000e+00> : vector<1x1152xf32>
    %dot_general3A_55 = tpu.matmul %broadcast_in_dim3A_13, %select_n3A_53, %dot_general3A_54 {dimension_numbers = #tpu.dot_dimension_numbers<[1], [0], [0], [1], [0, 0, 1, 1], [], []>, transpose_lhs_hint = false} : vector<1x128xf32>, vector<128x1152xf32>, vector<1x1152xf32> -> vector<1x1152xf32>
    %add3A_56 = arith.addf %add3A, %dot_general3A_55 : vector<1x1152xf32>
    %slice3A_57 = vector.extract_strided_slice %concatenate3A {offsets = [0, 256], sizes = [1, 128], strides = [1, 1]} : vector<1x1152xf32> to vector<1x128xf32>
    %dot_general3A_58 = arith.constant dense<0.000000e+00> : vector<128x1xf32>
    %dot_general3A_59 = tpu.matmul %convert_element_type3A_11, %slice3A_57, %dot_general3A_58 {dimension_numbers = #tpu.dot_dimension_numbers<[1], [1], [0], [0], [0, 0, 1, 0], [], []>, precision = #tpu.contract_precision<fp32>, transpose_lhs_hint = false} : vector<128x128xf32>, vector<1x128xf32>, vector<128x1xf32> -> vector<128x1xf32>
    %broadcast_in_dim3A_60 = vector.shape_cast %dot_general3A_59 : vector<128x1xf32> to vector<128x1xf32>
    %broadcast_in_dim3A_61 = vector.broadcast %broadcast_in_dim3A_60 : vector<128x1xf32> to vector<128x1152xf32>
    %gt3A_62 = arith.constant 256 : i32
    %gt3A_63 = vector.broadcast %gt3A_62 : i32 to vector<128x1152xi32>
    %gt3A_64 = arith.cmpi sgt, %sub3A, %gt3A_63 : vector<128x1152xi32>
    %gt3A_65 = arith.cmpf ogt, %broadcast_in_dim3A_61, %broadcast_in_dim3A_17 : vector<128x1152xf32>
    %eq3A_66 = arith.cmpf oeq, %broadcast_in_dim3A_61, %broadcast_in_dim3A_17 : vector<128x1152xf32>
    %and3A_67 = arith.andi %eq3A_66, %gt3A_64 : vector<128x1152xi1>
    %jit3A_68 = arith.constant 1.000000e+00 : f32
    %jit3A_69 = arith.constant 0.000000e+00 : f32
    %broadcast_in_dim3A_70 = vector.broadcast %jit3A_68 : f32 to vector<128x1152xf32>
    %broadcast_in_dim3A_71 = vector.broadcast %jit3A_69 : f32 to vector<128x1152xf32>
    %select_n3A_72 = arith.select %and3A_67, %broadcast_in_dim3A_70, %broadcast_in_dim3A_71 : vector<128x1152xi1>, vector<128x1152xf32>
    %jit3A_73 = arith.constant 1.000000e+00 : f32
    %broadcast_in_dim3A_74 = vector.broadcast %jit3A_73 : f32 to vector<128x1152xf32>
    %select_n3A_75 = arith.select %gt3A_65, %broadcast_in_dim3A_74, %select_n3A_72 : vector<128x1152xi1>, vector<128x1152xf32>
    %dot_general3A_76 = arith.constant dense<0.000000e+00> : vector<1x1152xf32>
    %dot_general3A_77 = tpu.matmul %broadcast_in_dim3A_13, %select_n3A_75, %dot_general3A_76 {dimension_numbers = #tpu.dot_dimension_numbers<[1], [0], [0], [1], [0, 0, 1, 1], [], []>, transpose_lhs_hint = false} : vector<1x128xf32>, vector<128x1152xf32>, vector<1x1152xf32> -> vector<1x1152xf32>
    %add3A_78 = arith.addf %add3A_56, %dot_general3A_77 : vector<1x1152xf32>
    %slice3A_79 = vector.extract_strided_slice %concatenate3A {offsets = [0, 384], sizes = [1, 128], strides = [1, 1]} : vector<1x1152xf32> to vector<1x128xf32>
    %dot_general3A_80 = arith.constant dense<0.000000e+00> : vector<128x1xf32>
    %dot_general3A_81 = tpu.matmul %convert_element_type3A_11, %slice3A_79, %dot_general3A_80 {dimension_numbers = #tpu.dot_dimension_numbers<[1], [1], [0], [0], [0, 0, 1, 0], [], []>, precision = #tpu.contract_precision<fp32>, transpose_lhs_hint = false} : vector<128x128xf32>, vector<1x128xf32>, vector<128x1xf32> -> vector<128x1xf32>
    %broadcast_in_dim3A_82 = vector.shape_cast %dot_general3A_81 : vector<128x1xf32> to vector<128x1xf32>
    %broadcast_in_dim3A_83 = vector.broadcast %broadcast_in_dim3A_82 : vector<128x1xf32> to vector<128x1152xf32>
    %gt3A_84 = arith.constant 384 : i32
    %gt3A_85 = vector.broadcast %gt3A_84 : i32 to vector<128x1152xi32>
    %gt3A_86 = arith.cmpi sgt, %sub3A, %gt3A_85 : vector<128x1152xi32>
    %gt3A_87 = arith.cmpf ogt, %broadcast_in_dim3A_83, %broadcast_in_dim3A_17 : vector<128x1152xf32>
    %eq3A_88 = arith.cmpf oeq, %broadcast_in_dim3A_83, %broadcast_in_dim3A_17 : vector<128x1152xf32>
    %and3A_89 = arith.andi %eq3A_88, %gt3A_86 : vector<128x1152xi1>
    %jit3A_90 = arith.constant 1.000000e+00 : f32
    %jit3A_91 = arith.constant 0.000000e+00 : f32
    %broadcast_in_dim3A_92 = vector.broadcast %jit3A_90 : f32 to vector<128x1152xf32>
    %broadcast_in_dim3A_93 = vector.broadcast %jit3A_91 : f32 to vector<128x1152xf32>
    %select_n3A_94 = arith.select %and3A_89, %broadcast_in_dim3A_92, %broadcast_in_dim3A_93 : vector<128x1152xi1>, vector<128x1152xf32>
    %jit3A_95 = arith.constant 1.000000e+00 : f32
    %broadcast_in_dim3A_96 = vector.broadcast %jit3A_95 : f32 to vector<128x1152xf32>
    %select_n3A_97 = arith.select %gt3A_87, %broadcast_in_dim3A_96, %select_n3A_94 : vector<128x1152xi1>, vector<128x1152xf32>
    %dot_general3A_98 = arith.constant dense<0.000000e+00> : vector<1x1152xf32>
    %dot_general3A_99 = tpu.matmul %broadcast_in_dim3A_13, %select_n3A_97, %dot_general3A_98 {dimension_numbers = #tpu.dot_dimension_numbers<[1], [0], [0], [1], [0, 0, 1, 1], [], []>, transpose_lhs_hint = false} : vector<1x128xf32>, vector<128x1152xf32>, vector<1x1152xf32> -> vector<1x1152xf32>
    %add3A_100 = arith.addf %add3A_78, %dot_general3A_99 : vector<1x1152xf32>
    %slice3A_101 = vector.extract_strided_slice %concatenate3A {offsets = [0, 512], sizes = [1, 128], strides = [1, 1]} : vector<1x1152xf32> to vector<1x128xf32>
    %dot_general3A_102 = arith.constant dense<0.000000e+00> : vector<128x1xf32>
    %dot_general3A_103 = tpu.matmul %convert_element_type3A_11, %slice3A_101, %dot_general3A_102 {dimension_numbers = #tpu.dot_dimension_numbers<[1], [1], [0], [0], [0, 0, 1, 0], [], []>, precision = #tpu.contract_precision<fp32>, transpose_lhs_hint = false} : vector<128x128xf32>, vector<1x128xf32>, vector<128x1xf32> -> vector<128x1xf32>
    %broadcast_in_dim3A_104 = vector.shape_cast %dot_general3A_103 : vector<128x1xf32> to vector<128x1xf32>
    %broadcast_in_dim3A_105 = vector.broadcast %broadcast_in_dim3A_104 : vector<128x1xf32> to vector<128x1152xf32>
    %gt3A_106 = arith.constant 512 : i32
    %gt3A_107 = vector.broadcast %gt3A_106 : i32 to vector<128x1152xi32>
    %gt3A_108 = arith.cmpi sgt, %sub3A, %gt3A_107 : vector<128x1152xi32>
    %gt3A_109 = arith.cmpf ogt, %broadcast_in_dim3A_105, %broadcast_in_dim3A_17 : vector<128x1152xf32>
    %eq3A_110 = arith.cmpf oeq, %broadcast_in_dim3A_105, %broadcast_in_dim3A_17 : vector<128x1152xf32>
    %and3A_111 = arith.andi %eq3A_110, %gt3A_108 : vector<128x1152xi1>
    %jit3A_112 = arith.constant 1.000000e+00 : f32
    %jit3A_113 = arith.constant 0.000000e+00 : f32
    %broadcast_in_dim3A_114 = vector.broadcast %jit3A_112 : f32 to vector<128x1152xf32>
    %broadcast_in_dim3A_115 = vector.broadcast %jit3A_113 : f32 to vector<128x1152xf32>
    %select_n3A_116 = arith.select %and3A_111, %broadcast_in_dim3A_114, %broadcast_in_dim3A_115 : vector<128x1152xi1>, vector<128x1152xf32>
    %jit3A_117 = arith.constant 1.000000e+00 : f32
    %broadcast_in_dim3A_118 = vector.broadcast %jit3A_117 : f32 to vector<128x1152xf32>
    %select_n3A_119 = arith.select %gt3A_109, %broadcast_in_dim3A_118, %select_n3A_116 : vector<128x1152xi1>, vector<128x1152xf32>
    %dot_general3A_120 = arith.constant dense<0.000000e+00> : vector<1x1152xf32>
    %dot_general3A_121 = tpu.matmul %broadcast_in_dim3A_13, %select_n3A_119, %dot_general3A_120 {dimension_numbers = #tpu.dot_dimension_numbers<[1], [0], [0], [1], [0, 0, 1, 1], [], []>, transpose_lhs_hint = false} : vector<1x128xf32>, vector<128x1152xf32>, vector<1x1152xf32> -> vector<1x1152xf32>
    %add3A_122 = arith.addf %add3A_100, %dot_general3A_121 : vector<1x1152xf32>
    %slice3A_123 = vector.extract_strided_slice %concatenate3A {offsets = [0, 640], sizes = [1, 128], strides = [1, 1]} : vector<1x1152xf32> to vector<1x128xf32>
    %dot_general3A_124 = arith.constant dense<0.000000e+00> : vector<128x1xf32>
    %dot_general3A_125 = tpu.matmul %convert_element_type3A_11, %slice3A_123, %dot_general3A_124 {dimension_numbers = #tpu.dot_dimension_numbers<[1], [1], [0], [0], [0, 0, 1, 0], [], []>, precision = #tpu.contract_precision<fp32>, transpose_lhs_hint = false} : vector<128x128xf32>, vector<1x128xf32>, vector<128x1xf32> -> vector<128x1xf32>
    %broadcast_in_dim3A_126 = vector.shape_cast %dot_general3A_125 : vector<128x1xf32> to vector<128x1xf32>
    %broadcast_in_dim3A_127 = vector.broadcast %broadcast_in_dim3A_126 : vector<128x1xf32> to vector<128x1152xf32>
    %gt3A_128 = arith.constant 640 : i32
    %gt3A_129 = vector.broadcast %gt3A_128 : i32 to vector<128x1152xi32>
    %gt3A_130 = arith.cmpi sgt, %sub3A, %gt3A_129 : vector<128x1152xi32>
    %gt3A_131 = arith.cmpf ogt, %broadcast_in_dim3A_127, %broadcast_in_dim3A_17 : vector<128x1152xf32>
    %eq3A_132 = arith.cmpf oeq, %broadcast_in_dim3A_127, %broadcast_in_dim3A_17 : vector<128x1152xf32>
    %and3A_133 = arith.andi %eq3A_132, %gt3A_130 : vector<128x1152xi1>
    %jit3A_134 = arith.constant 1.000000e+00 : f32
    %jit3A_135 = arith.constant 0.000000e+00 : f32
    %broadcast_in_dim3A_136 = vector.broadcast %jit3A_134 : f32 to vector<128x1152xf32>
    %broadcast_in_dim3A_137 = vector.broadcast %jit3A_135 : f32 to vector<128x1152xf32>
    %select_n3A_138 = arith.select %and3A_133, %broadcast_in_dim3A_136, %broadcast_in_dim3A_137 : vector<128x1152xi1>, vector<128x1152xf32>
    %jit3A_139 = arith.constant 1.000000e+00 : f32
    %broadcast_in_dim3A_140 = vector.broadcast %jit3A_139 : f32 to vector<128x1152xf32>
    %select_n3A_141 = arith.select %gt3A_131, %broadcast_in_dim3A_140, %select_n3A_138 : vector<128x1152xi1>, vector<128x1152xf32>
    %dot_general3A_142 = arith.constant dense<0.000000e+00> : vector<1x1152xf32>
    %dot_general3A_143 = tpu.matmul %broadcast_in_dim3A_13, %select_n3A_141, %dot_general3A_142 {dimension_numbers = #tpu.dot_dimension_numbers<[1], [0], [0], [1], [0, 0, 1, 1], [], []>, transpose_lhs_hint = false} : vector<1x128xf32>, vector<128x1152xf32>, vector<1x1152xf32> -> vector<1x1152xf32>
    %add3A_144 = arith.addf %add3A_122, %dot_general3A_143 : vector<1x1152xf32>
    %slice3A_145 = vector.extract_strided_slice %concatenate3A {offsets = [0, 768], sizes = [1, 128], strides = [1, 1]} : vector<1x1152xf32> to vector<1x128xf32>
    %dot_general3A_146 = arith.constant dense<0.000000e+00> : vector<128x1xf32>
    %dot_general3A_147 = tpu.matmul %convert_element_type3A_11, %slice3A_145, %dot_general3A_146 {dimension_numbers = #tpu.dot_dimension_numbers<[1], [1], [0], [0], [0, 0, 1, 0], [], []>, precision = #tpu.contract_precision<fp32>, transpose_lhs_hint = false} : vector<128x128xf32>, vector<1x128xf32>, vector<128x1xf32> -> vector<128x1xf32>
    %broadcast_in_dim3A_148 = vector.shape_cast %dot_general3A_147 : vector<128x1xf32> to vector<128x1xf32>
    %broadcast_in_dim3A_149 = vector.broadcast %broadcast_in_dim3A_148 : vector<128x1xf32> to vector<128x1152xf32>
    %gt3A_150 = arith.constant 768 : i32
    %gt3A_151 = vector.broadcast %gt3A_150 : i32 to vector<128x1152xi32>
    %gt3A_152 = arith.cmpi sgt, %sub3A, %gt3A_151 : vector<128x1152xi32>
    %gt3A_153 = arith.cmpf ogt, %broadcast_in_dim3A_149, %broadcast_in_dim3A_17 : vector<128x1152xf32>
    %eq3A_154 = arith.cmpf oeq, %broadcast_in_dim3A_149, %broadcast_in_dim3A_17 : vector<128x1152xf32>
    %and3A_155 = arith.andi %eq3A_154, %gt3A_152 : vector<128x1152xi1>
    %jit3A_156 = arith.constant 1.000000e+00 : f32
    %jit3A_157 = arith.constant 0.000000e+00 : f32
    %broadcast_in_dim3A_158 = vector.broadcast %jit3A_156 : f32 to vector<128x1152xf32>
    %broadcast_in_dim3A_159 = vector.broadcast %jit3A_157 : f32 to vector<128x1152xf32>
    %select_n3A_160 = arith.select %and3A_155, %broadcast_in_dim3A_158, %broadcast_in_dim3A_159 : vector<128x1152xi1>, vector<128x1152xf32>
    %jit3A_161 = arith.constant 1.000000e+00 : f32
    %broadcast_in_dim3A_162 = vector.broadcast %jit3A_161 : f32 to vector<128x1152xf32>
    %select_n3A_163 = arith.select %gt3A_153, %broadcast_in_dim3A_162, %select_n3A_160 : vector<128x1152xi1>, vector<128x1152xf32>
    %dot_general3A_164 = arith.constant dense<0.000000e+00> : vector<1x1152xf32>
    %dot_general3A_165 = tpu.matmul %broadcast_in_dim3A_13, %select_n3A_163, %dot_general3A_164 {dimension_numbers = #tpu.dot_dimension_numbers<[1], [0], [0], [1], [0, 0, 1, 1], [], []>, transpose_lhs_hint = false} : vector<1x128xf32>, vector<128x1152xf32>, vector<1x1152xf32> -> vector<1x1152xf32>
    %add3A_166 = arith.addf %add3A_144, %dot_general3A_165 : vector<1x1152xf32>
    %slice3A_167 = vector.extract_strided_slice %concatenate3A {offsets = [0, 896], sizes = [1, 128], strides = [1, 1]} : vector<1x1152xf32> to vector<1x128xf32>
    %dot_general3A_168 = arith.constant dense<0.000000e+00> : vector<128x1xf32>
    %dot_general3A_169 = tpu.matmul %convert_element_type3A_11, %slice3A_167, %dot_general3A_168 {dimension_numbers = #tpu.dot_dimension_numbers<[1], [1], [0], [0], [0, 0, 1, 0], [], []>, precision = #tpu.contract_precision<fp32>, transpose_lhs_hint = false} : vector<128x128xf32>, vector<1x128xf32>, vector<128x1xf32> -> vector<128x1xf32>
    %broadcast_in_dim3A_170 = vector.shape_cast %dot_general3A_169 : vector<128x1xf32> to vector<128x1xf32>
    %broadcast_in_dim3A_171 = vector.broadcast %broadcast_in_dim3A_170 : vector<128x1xf32> to vector<128x1152xf32>
    %gt3A_172 = arith.constant 896 : i32
    %gt3A_173 = vector.broadcast %gt3A_172 : i32 to vector<128x1152xi32>
    %gt3A_174 = arith.cmpi sgt, %sub3A, %gt3A_173 : vector<128x1152xi32>
    %gt3A_175 = arith.cmpf ogt, %broadcast_in_dim3A_171, %broadcast_in_dim3A_17 : vector<128x1152xf32>
    %eq3A_176 = arith.cmpf oeq, %broadcast_in_dim3A_171, %broadcast_in_dim3A_17 : vector<128x1152xf32>
    %and3A_177 = arith.andi %eq3A_176, %gt3A_174 : vector<128x1152xi1>
    %jit3A_178 = arith.constant 1.000000e+00 : f32
    %jit3A_179 = arith.constant 0.000000e+00 : f32
    %broadcast_in_dim3A_180 = vector.broadcast %jit3A_178 : f32 to vector<128x1152xf32>
    %broadcast_in_dim3A_181 = vector.broadcast %jit3A_179 : f32 to vector<128x1152xf32>
    %select_n3A_182 = arith.select %and3A_177, %broadcast_in_dim3A_180, %broadcast_in_dim3A_181 : vector<128x1152xi1>, vector<128x1152xf32>
    %jit3A_183 = arith.constant 1.000000e+00 : f32
    %broadcast_in_dim3A_184 = vector.broadcast %jit3A_183 : f32 to vector<128x1152xf32>
    %select_n3A_185 = arith.select %gt3A_175, %broadcast_in_dim3A_184, %select_n3A_182 : vector<128x1152xi1>, vector<128x1152xf32>
    %dot_general3A_186 = arith.constant dense<0.000000e+00> : vector<1x1152xf32>
    %dot_general3A_187 = tpu.matmul %broadcast_in_dim3A_13, %select_n3A_185, %dot_general3A_186 {dimension_numbers = #tpu.dot_dimension_numbers<[1], [0], [0], [1], [0, 0, 1, 1], [], []>, transpose_lhs_hint = false} : vector<1x128xf32>, vector<128x1152xf32>, vector<1x1152xf32> -> vector<1x1152xf32>
    %add3A_188 = arith.addf %add3A_166, %dot_general3A_187 : vector<1x1152xf32>
    %slice3A_189 = vector.extract_strided_slice %concatenate3A {offsets = [0, 1024], sizes = [1, 128], strides = [1, 1]} : vector<1x1152xf32> to vector<1x128xf32>
    %dot_general3A_190 = arith.constant dense<0.000000e+00> : vector<128x1xf32>
    %dot_general3A_191 = tpu.matmul %convert_element_type3A_11, %slice3A_189, %dot_general3A_190 {dimension_numbers = #tpu.dot_dimension_numbers<[1], [1], [0], [0], [0, 0, 1, 0], [], []>, precision = #tpu.contract_precision<fp32>, transpose_lhs_hint = false} : vector<128x128xf32>, vector<1x128xf32>, vector<128x1xf32> -> vector<128x1xf32>
    %broadcast_in_dim3A_192 = vector.shape_cast %dot_general3A_191 : vector<128x1xf32> to vector<128x1xf32>
    %broadcast_in_dim3A_193 = vector.broadcast %broadcast_in_dim3A_192 : vector<128x1xf32> to vector<128x1152xf32>
    %gt3A_194 = arith.constant 1024 : i32
    %gt3A_195 = vector.broadcast %gt3A_194 : i32 to vector<128x1152xi32>
    %gt3A_196 = arith.cmpi sgt, %sub3A, %gt3A_195 : vector<128x1152xi32>
    %gt3A_197 = arith.cmpf ogt, %broadcast_in_dim3A_193, %broadcast_in_dim3A_17 : vector<128x1152xf32>
    %eq3A_198 = arith.cmpf oeq, %broadcast_in_dim3A_193, %broadcast_in_dim3A_17 : vector<128x1152xf32>
    %and3A_199 = arith.andi %eq3A_198, %gt3A_196 : vector<128x1152xi1>
    %jit3A_200 = arith.constant 1.000000e+00 : f32
    %jit3A_201 = arith.constant 0.000000e+00 : f32
    %broadcast_in_dim3A_202 = vector.broadcast %jit3A_200 : f32 to vector<128x1152xf32>
    %broadcast_in_dim3A_203 = vector.broadcast %jit3A_201 : f32 to vector<128x1152xf32>
    %select_n3A_204 = arith.select %and3A_199, %broadcast_in_dim3A_202, %broadcast_in_dim3A_203 : vector<128x1152xi1>, vector<128x1152xf32>
    %jit3A_205 = arith.constant 1.000000e+00 : f32
    %broadcast_in_dim3A_206 = vector.broadcast %jit3A_205 : f32 to vector<128x1152xf32>
    %select_n3A_207 = arith.select %gt3A_197, %broadcast_in_dim3A_206, %select_n3A_204 : vector<128x1152xi1>, vector<128x1152xf32>
    %dot_general3A_208 = arith.constant dense<0.000000e+00> : vector<1x1152xf32>
    %dot_general3A_209 = tpu.matmul %broadcast_in_dim3A_13, %select_n3A_207, %dot_general3A_208 {dimension_numbers = #tpu.dot_dimension_numbers<[1], [0], [0], [1], [0, 0, 1, 1], [], []>, transpose_lhs_hint = false} : vector<1x128xf32>, vector<128x1152xf32>, vector<1x1152xf32> -> vector<1x1152xf32>
    %add3A_210 = arith.addf %add3A_188, %dot_general3A_209 : vector<1x1152xf32>
    %iota3A_211 = tpu.iota {dimensions = array<i32: 0>} : vector<64x1152xi32>
    %convert_element_type3A_212 = arith.fptosi %add3A_210 : vector<1x1152xf32> to vector<1x1152xi32>
    %broadcast_in_dim3A_213 = vector.shape_cast %convert_element_type3A_212 : vector<1x1152xi32> to vector<1x1152xi32>
    %broadcast_in_dim3A_214 = vector.broadcast %broadcast_in_dim3A_213 : vector<1x1152xi32> to vector<64x1152xi32>
    %eq3A_215 = arith.cmpi eq, %broadcast_in_dim3A_214, %iota3A_211 : vector<64x1152xi32>
    %convert_element_type3A_216 = arith.extui %eq3A_215 : vector<64x1152xi1> to vector<64x1152xi32>
    %convert_element_type3A_217 = arith.sitofp %convert_element_type3A_216 : vector<64x1152xi32> to vector<64x1152xf32>
    %dot_general3A_218 = arith.constant dense<0.000000e+00> : vector<1x64xf32>
    %dot_general3A_219 = tpu.matmul %concatenate3A, %convert_element_type3A_217, %dot_general3A_218 {dimension_numbers = #tpu.dot_dimension_numbers<[1], [1], [0], [0], [0, 0, 1, 0], [], []>, precision = #tpu.contract_precision<fp32>, transpose_lhs_hint = false} : vector<1x1152xf32>, vector<64x1152xf32>, vector<1x64xf32> -> vector<1x64xf32>
    %get3A_220 = arith.constant 0 : index
    %get3A_221 = arith.constant 0 : index
    %get3A_222 = arith.constant 0 : index
    %get3A_223 = vector.load %arg4[%get3A_220, %get3A_221, %get3A_222] : memref<1x64x128xf32, #tpu.memory_space<vmem>>, vector<1x64x128xf32>
    %get3A_224 = vector.shape_cast %get3A_223 : vector<1x64x128xf32> to vector<64x128xf32>
    %broadcast_in_dim3A_225 = arith.constant 0.000000e+00 : f32
    %broadcast_in_dim3A_226 = vector.broadcast %broadcast_in_dim3A_225 : f32 to vector<64x128xf32>
    %get3A_227 = arith.constant 0 : index
    %get3A_228 = arith.constant 0 : index
    %get3A_229 = vector.load %arg7[%get3A_227, %get3A_228] : memref<1024x128xf32, #tpu.memory_space<vmem>>, vector<1024x128xf32>
    %concatenate3A_230 = tpu.concatenate %get3A_224, %get3A_229, %broadcast_in_dim3A_226 in 0 : vector<64x128xf32>, vector<1024x128xf32>, vector<64x128xf32> -> vector<1152x128xf32>
    %dot_general3A_231 = arith.constant dense<0.000000e+00> : vector<64x128xf32>
    %dot_general3A_232 = tpu.matmul %convert_element_type3A_217, %concatenate3A_230, %dot_general3A_231 {dimension_numbers = #tpu.dot_dimension_numbers<[1], [0], [0], [1], [0, 0, 1, 1], [], []>, precision = #tpu.contract_precision<fp32>, transpose_lhs_hint = false} : vector<64x1152xf32>, vector<1152x128xf32>, vector<64x128xf32> -> vector<64x128xf32>
    %get3A_233 = arith.constant 0 : index
    %get3A_234 = memref.load %arg8[%get3A_233] : memref<1xf32, #tpu.memory_space<smem>>
    %sub3A_235 = arith.constant 1.000000e+00 : f32
    %sub3A_236 = arith.subf %sub3A_235, %get3A_234 : f32
    %mul3A = vector.broadcast %sub3A_236 : f32 to vector<64x128xf32>
    %mul3A_237 = arith.mulf %mul3A, %get3A_224 : vector<64x128xf32>
    %mul3A_238 = vector.broadcast %get3A_234 : f32 to vector<64x128xf32>
    %mul3A_239 = arith.mulf %mul3A_238, %dot_general3A_232 : vector<64x128xf32>
    %add3A_240 = arith.addf %mul3A_237, %mul3A_239 : vector<64x128xf32>
    %swap3A = arith.constant 0 : index
    %swap3A_241 = arith.constant 0 : index
    %swap3A_242 = arith.constant 0 : index
    %swap3A_243 = vector.load %arg9[%swap3A, %swap3A_241, %swap3A_242] : memref<1x64x128xf32, #tpu.memory_space<vmem>>, vector<1x64x128xf32>
    %swap3A_244 = vector.shape_cast %swap3A_243 : vector<1x64x128xf32> to vector<64x128xf32>
    %swap3A_245 = vector.shape_cast %add3A_240 : vector<64x128xf32> to vector<1x64x128xf32>
    tpu.vector_store %arg9[%swap3A, %swap3A_241, %swap3A_242], %swap3A_245 {strides = array<i32>} : memref<1x64x128xf32, #tpu.memory_space<vmem>>, vector<1x64x128xf32>,
    %swap3A_246 = arith.constant 0 : index
    %swap3A_247 = arith.constant 0 : index
    %swap3A_248 = arith.constant 0 : index
    %swap3A_249 = vector.load %arg10[%swap3A_246, %swap3A_247, %swap3A_248] : memref<1x1x64xf32, #tpu.memory_space<vmem>>, vector<1x1x64xf32>
    %swap3A_250 = vector.shape_cast %swap3A_249 : vector<1x1x64xf32> to vector<1x64xf32>
    %swap3A_251 = vector.shape_cast %dot_general3A_219 : vector<1x64xf32> to vector<1x1x64xf32>
    tpu.vector_store %arg10[%swap3A_246, %swap3A_247, %swap3A_248], %swap3A_251 {strides = array<i32>} : memref<1x1x64xf32, #tpu.memory_space<vmem>>, vector<1x1x64xf32>,
    return
  }
  func.func @transform_2(%arg0: i32, %arg1: memref<256xi32, #tpu.memory_space<smem>>) -> (i32, i32, i32) {
    %get3A = arith.index_cast %arg0 : i32 to index
    %get3A_0 = memref.load %arg1[%get3A] : memref<256xi32, #tpu.memory_space<smem>>
    %c0_i32 = arith.constant 0 : i32
    %c0_i32_1 = arith.constant 0 : i32
    %c0_i32_2 = arith.constant 0 : i32
    return %get3A_0, %c0_i32, %c0_i32_1 : i32, i32, i32
  }
  func.func @transform_3(%arg0: i32, %arg1: memref<256xi32, #tpu.memory_space<smem>>) -> (i32, i32, i32) {
    %get3A = arith.index_cast %arg0 : i32 to index
    %get3A_0 = memref.load %arg1[%get3A] : memref<256xi32, #tpu.memory_space<smem>>
    %c0_i32 = arith.constant 0 : i32
    %c0_i32_1 = arith.constant 0 : i32
    %c0_i32_2 = arith.constant 0 : i32
    return %get3A_0, %c0_i32, %c0_i32_1 : i32, i32, i32
  }
  func.func @transform_4(%arg0: i32, %arg1: memref<256xi32, #tpu.memory_space<smem>>) -> (i32, i32, i32) {
    %c0_i32 = arith.constant 0 : i32
    %c0_i32_0 = arith.constant 0 : i32
    %c0_i32_1 = arith.constant 0 : i32
    return %arg0, %c0_i32, %c0_i32_0 : i32, i32, i32
  }
  func.func @transform_5(%arg0: i32, %arg1: memref<256xi32, #tpu.memory_space<smem>>) -> (i32, i32) {
    %c0_i32 = arith.constant 0 : i32
    %c0_i32_0 = arith.constant 0 : i32
    %c0_i32_1 = arith.constant 0 : i32
    return %c0_i32, %c0_i32_0 : i32, i32
  }
  func.func @transform_6(%arg0: i32, %arg1: memref<256xi32, #tpu.memory_space<smem>>) -> i32 {
    %c0_i32 = arith.constant 0 : i32
    %c0_i32_0 = arith.constant 0 : i32
    return %c0_i32 : i32
  }
  func.func @transform_7(%arg0: i32, %arg1: memref<256xi32, #tpu.memory_space<smem>>) -> (i32, i32, i32) {
    %get3A = arith.index_cast %arg0 : i32 to index
    %get3A_0 = memref.load %arg1[%get3A] : memref<256xi32, #tpu.memory_space<smem>>
    %c0_i32 = arith.constant 0 : i32
    %c0_i32_1 = arith.constant 0 : i32
    %c0_i32_2 = arith.constant 0 : i32
    return %get3A_0, %c0_i32, %c0_i32_1 : i32, i32, i32
  }
  func.func @transform_8(%arg0: i32, %arg1: memref<256xi32, #tpu.memory_space<smem>>) -> (i32, i32, i32) {
    %get3A = arith.index_cast %arg0 : i32 to index
    %get3A_0 = memref.load %arg1[%get3A] : memref<256xi32, #tpu.memory_space<smem>>
    %c0_i32 = arith.constant 0 : i32
    %c0_i32_1 = arith.constant 0 : i32
    %c0_i32_2 = arith.constant 0 : i32
    return %get3A_0, %c0_i32, %c0_i32_1 : i32, i32, i32
  }
}

</mosaic_0001>

<sc_bundles>
// kernel: kernel.4.cloned.1.call-start
scs
__scs_entry_jumppad:
0x0: {  	(pc) =	sbr.rel $0x88, $3  }
0x1: {  	(tag) =	ssettag $0x0;
	lr =	simm.s32 $0x1  }
0x2: {  	[smem:$0x3F9B] =	sst lr;
	_ =	strace $0xD0000000  }
0x3: {  	_ = 	snop  }
0x4: {  	_ = 	snop  }
0x5: {  	_ = 	snop  }
0x6: {  	_ = 	snop  }
0x7: {  	_ = 	snop  }
__scs_overlays_trampoline_lowered:
0x8: {  	[smem:$0x3FAA] =	sst s0  }
0x9: {  	[smem:$0x3FAB] =	sst s1  }
0xa: {  	[smem:$0x3FAC] =	sst s2  }
0xb: {  	[smem:$0x3FAD] =	sst s3  }
0xc: {  	[smem:$0x3FAE] =	sst s4  }
0xd: {  	[smem:$0x3FAF] =	sst s5  }
0xe: {  	[smem:$0x3FB0] =	sst s6  }
0xf: {  	[smem:$0x3FB1] =	sst s7  }
0x10: {  	[smem:$0x3FB2] =	sst s8  }
0x11: {  	[smem:$0x3FB3] =	sst s9;
	s0 =	simm.s32 @!p0 $0x0  }
0x12: {  	s1 =	sld [smem:$0x3F99];
	s0 =	simm.s32 @p0 $0x1  }
0x13: {  	[smem:$0x3FB4] =	sst s0;
	s0 =	simm.s32 @!p1 $0x0  }
0x14: {  	s2 =	sld [smem:$0x3F98];
	s0 =	simm.s32 @p1 $0x1  }
0x15: {  	[smem:$0x3FB5] =	sst s0;
	s0 =	simm.s32 @!p2 $0x0  }
0x16: {  	s3 =	sld [smem:$0x3FDB];
	s0 =	simm.s32 @p2 $0x1  }
0x17: {  	s4 =	simm.s32 $0x1BF5;
	[smem:$0x3FB7] =	sst s0  }
0x18: {  	s0 =	sld [smem:$0x3F9A];
	_ =	swait.ge [sflag:s4], $0x0  }
0x19: {  	s7 =	sld [smem:$0x3F9B]  }
0x1a: {  	s8 =	sadd.s32 $0xFFFFE003, lr  }
0x1b: {  	s9 =	sadd.s32 $0xFFFFFEF7, lr;
	s5 =	simm.s32 $0xFFFFFFFF;
	p2 =	slt.u32 s8, $0xFFFFF086  }
0x1c: {  	p1 =	slt.u32 s9, $0xF7A;
	s5 =	simm.s32 @!p2 $0x0  }
0x1d: {  	s5 =	simm.s32 @p1 $0x1;
	p0 =	seq.s32 s7, s2  }
0x1e: {  	s7 =	smul.u32 @!p0 $0xF7A, s2;
	p2 =	seq.s32 @!p0 s5, $0x0  }
0x1f: {  	s9 =	smul.u32 $0xF7A, s1;
	s8 =	simm.s32 @!p0 $0x1BF5;
	p2 =	por !p2, p0  }
0x20: {  	[sflag:s8] =	ssyncset.s32 @!p0 $0xFFFFF086;
	s6 =	sadd.s32 @!p0 s3, s7;
	s7 =	simm.s32 @!p0 $0x108  }
0x21: {  	s3 =	sadd.s32 s3, s9;
	s6 =	sadd.s32 @!p0 $0x88, s6;
	s7 =	simm.s32 @p2 $0x1082  }
0x22: {  	[simem:s7], [sflag:s8] =	dma.local @!p0 [hbm:s6], $0xF7A  }
0x23: {  	s9 =	sor.u32 $0xD0000000, s2;
	s6 =	simm.s32 $0x108;
	_ =	swait.ge @!p0 [sflag:s8], $0x0  }
0x24: {  	s3 =	sadd.s32 $0x88, s3;
	s6 =	simm.s32 @!p1 $0x1082;
	[sflag:s4] =	ssyncset.s32 $0xFFFFF086  }
0x25: {  	[simem:s6], [sflag:s4] =	dma.local [hbm:s3], $0xF7A  }
0x26: {  	[smem:$0x3F9B] =	sst s1;
	(tag) =	ssettag s2;
	_ =	strace s9  }
0x27: {  	s1 =	sld [smem:$0x3FAB]  }
0x28: {  	s2 =	sld [smem:$0x3FAC]  }
0x29: {  	s4 =	sld [smem:$0x3FAE]  }
0x2a: {  	p0 =	seq.s32 s5, $0x0;
	s5 =	sld [smem:$0x3FAF]  }
0x2b: {  	s6 =	sld [smem:$0x3FB0]  }
0x2c: {  	s7 =	sld [smem:$0x3FB1]  }
0x2d: {  	s3 =	simm.s32 $0x108;
	s8 =	sld [smem:$0x3FB2]  }
0x2e: {  	s3 =	simm.s32 @!p0 $0x1082;
	s9 =	sld [smem:$0x3FB3]  }
0x2f: {  	lr =	sadd.s32 s0, s3;
	s0 =	sld [smem:$0x3FAA]  }
0x30: {  	s3 =	sld [smem:$0x3FAD]  }
0x31: {  	[smem:$0x3FB6] =	sst s10  }
0x32: {  	s10 =	sld [smem:$0x3FB4];
	_ =	sdelay $0x3  }
0x33: {  	p0 =	seq.s32 s10, $0x1;
	s10 =	sld [smem:$0x3FB6];
	_ =	sdelay $0x3  }
0x34: {  	[smem:$0x3FB6] =	sst s10  }
0x35: {  	s10 =	sld [smem:$0x3FB5];
	_ =	sdelay $0x3  }
0x36: {  	p1 =	seq.s32 s10, $0x1;
	s10 =	sld [smem:$0x3FB6];
	_ =	sdelay $0x3  }
0x37: {  	[smem:$0x3FB6] =	sst s10  }
0x38: {  	s10 =	sld [smem:$0x3FB7]  }
0x39: {  	_ = 	snop;
	(pc) =	sbr.ind lr, $3  }
0x3a: {  	_ = 	snop  }
0x3b: {  	_ = 	snop  }
0x3c: {  	p2 =	seq.s32 s10, $0x1;
	s10 =	sld [smem:$0x3FB6]  }
0x3d: {  	_ =	shalt  }
0x3e: {  	_ =	shalt  }
0x3f: {  	_ =	shalt  }
0x40: {  	_ =	shalt  }
0x41: {  	_ =	shalt  }
0x42: {  	_ =	shalt  }
0x43: {  	_ =	shalt  }
0x44: {  	_ =	shalt  }
0x45: {  	_ =	shalt  }
0x46: {  	_ =	shalt  }
0x47: {  	_ =	shalt  }
0x48: {  	_ =	shalt  }
0x49: {  	_ =	shalt  }
0x4a: {  	_ =	shalt  }
0x4b: {  	_ =	shalt  }
0x4c: {  	_ =	shalt  }
0x4d: {  	_ =	shalt  }
0x4e: {  	_ =	shalt  }
0x4f: {  	_ =	shalt  }
0x50: {  	_ =	shalt  }
0x51: {  	_ =	shalt  }
0x52: {  	_ =	shalt  }
0x53: {  	_ =	shalt  }
0x54: {  	_ =	shalt  }
0x55: {  	_ =	shalt  }
0x56: {  	_ =	shalt  }
0x57: {  	_ =	shalt  }
0x58: {  	_ =	shalt  }
0x59: {  	_ =	shalt  }
0x5a: {  	_ =	shalt  }
0x5b: {  	_ =	shalt  }
0x5c: {  	_ =	shalt  }
0x5d: {  	_ =	shalt  }
0x5e: {  	_ =	shalt  }
0x5f: {  	_ =	shalt  }
0x60: {  	_ =	shalt  }
0x61: {  	_ =	shalt  }
0x62: {  	_ =	shalt  }
0x63: {  	_ =	shalt  }
0x64: {  	_ =	shalt  }
0x65: {  	_ =	shalt  }
0x66: {  	_ =	shalt  }
0x67: {  	_ =	shalt  }
0x68: {  	_ =	shalt  }
0x69: {  	_ =	shalt  }
0x6a: {  	_ =	shalt  }
0x6b: {  	_ =	shalt  }
0x6c: {  	_ =	shalt  }
0x6d: {  	_ =	shalt  }
0x6e: {  	_ =	shalt  }
0x6f: {  	_ =	shalt  }
0x70: {  	_ =	shalt  }
0x71: {  	_ =	shalt  }
0x72: {  	_ =	shalt  }
0x73: {  	_ =	shalt  }
0x74: {  	_ =	shalt  }
0x75: {  	_ =	shalt  }
0x76: {  	_ =	shalt  }
0x77: {  	_ =	shalt  }
0x78: {  	_ =	shalt  }
0x79: {  	_ =	shalt  }
0x7a: {  	_ =	shalt  }
0x7b: {  	_ =	shalt  }
0x7c: {  	_ =	shalt  }
0x7d: {  	_ =	shalt  }
0x7e: {  	_ =	shalt  }
0x7f: {  	_ =	shalt  }
0x80: {  	_ =	shalt  }
0x81: {  	_ =	shalt  }
0x82: {  	_ =	shalt  }
0x83: {  	_ =	shalt  }
0x84: {  	_ =	shalt  }
0x85: {  	_ =	shalt  }
0x86: {  	_ =	shalt  }
0x87: {  	_ =	shalt  }
.Lfunc_end0:
.L_simem_size_0:
called_computation_lowered:
.L_overlay_start_0:
0x88: {  	s2 =	sld [smem:$0x3FD9]  }
0x89: {  	s3 =	sld [smem:$0x3FFE];
	_ =	sdelay $0x1  }
0x8a: {  	s1 =	srdreg.scid  }
0x8b: {  	s0 =	sand.u32 $0x1, s1  }
0x8c: {  	s14 =	sshll.u32 s0, $0xA;
	s2 =	sadd.s32 s3, s2  }
0x8d: {  	s2 =	sadd.s32 s2, s14  }
0x8e: {  	[smem:$0x3FC2] =	sst s2  }
0x8f: {  	_ = 	snop  }
0x90: {  	s2 =	sld [smem:$0x3FD0];
	_ =	sdelay $0x2  }
0x91: {  	s15 =	simm.s32 $0xA;
	s4 =	simm.s32 $0x10  }
0x92: {  	[smem:s4], [sflag:s15] =	dma.local [hbm:s2], $0x1  }
0x93: {  	_ =	swait.eq [sflag:s15], $0x1  }
0x94: {  	[sflag:s15] =	ssyncset.done $0x0  }
0x95: {  	[sflag:s15] =	ssyncadd.s32 $0xFFFFFFFF  }
0x96: {  	s16 =	sld [smem:$0x11];
	(tm) =	ssettm $0x1  }
0x97: {  	s17 =	sld [smem:$0x3FFB];
	_ =	sdelay $0x3  }
0x98: {  	_ =	strace s17  }
0x99: {  	s3 =	sld [smem:$0x3FFC];
	_ =	sdelay $0x3  }
0x9a: {  	_ =	strace s3  }
0x9b: {  	s3 =	sld [smem:$0x3FFD];
	_ =	sdelay $0x3  }
0x9c: {  	_ =	strace s3  }
0x9d: {  	_ =	strace $0x8FFFFFFF  }
0x9e: {  	s18 =	sld [smem:$0x3FDB];
	_ =	sdelay $0x1  }
0x9f: {  	s19 =	simm.s32 $_scs_section_size  }
0xa0: {  	s5 =	simm.s32 $_size__tile_overlayer_lowered;
	s6 =	simm.s32 $_tile_overlayer_lowered  }
0xa1: {  	s22 =	simm.s32 $0x1BFF;
	s21 =	sshll.u32 s6, $0x1;
	s3 =	sadd.s32 s19, s18  }
0xa2: {  	s7 =	simm.s32 $0x0;
	s20 =	sshll.u32 s5, $0x1;
	s5 =	sadd.s32 s21, s3  }
0xa3: {  	[timem:s7], [sflag:s22] =	dma.local [hbm:s5], s20  }
0xa4: {  	_ =	swait.ge [sflag:s22], s20  }
0xa5: {  	s4 =	ssub.s32 $0x0, s20;
	[sflag:s22] =	ssyncset.done $0x0  }
0xa6: {  	[sflag:s22] =	ssyncadd.s32 s4;
	_ =	sdelay $0x1  }
0xa7: {  	s23 =	simm.s32 $0x1B8B  }
0xa8: {  	_ =	swait.ge [sflag:s23], $0x1  }
0xa9: {  	[sflag:s23] =	ssyncset.done $0x0  }
0xaa: {  	s25 =	simm.s32 $0x1B8E;
	s24 =	sld [smem:$0x3FFE];
	[sflag:s23] =	ssyncadd.s32 $0xFFFFFFFF  }
0xab: {  	s26 =	simm.s32 $execute0_lowered;
	[smem:$0x3FD2] =	sst s25  }
0xac: {  	s5 =	sshll.u32 s26, $0x1;
	_ =	strace $0x80000046;
	[dreg:$0x1] =	wrdreg $0xFFFFFFFF  }
0xad: {  	s28 =	simm.s32 $_size_execute0_lowered;
	s3 =	sadd.s32 s3, s5;
	[dreg:$0x0] =	wrdreg $0x0  }
0xae: {  	s5 =	sshll.u32 s28, $0x1;
	[dreg:$0x2] =	wrdreg s3  }
0xaf: {  	[dreg:$0x3] =	wrdreg s5  }
0xb0: {  	[dreg:$0x4] =	wrdreg $0xC0  }
0xb1: {  	_ =	task [dreg:s7], $0x5FFFF  }
0xb2: {  	[dreg:$0x1] =	wrdreg $0xFFFFFFFF  }
0xb3: {  	[dreg:$0x0] =	wrdreg $0x60  }
0xb4: {  	[dreg:$0x2] =	wrdreg s24  }
0xb5: {  	[dreg:$0x3] =	wrdreg s16  }
0xb6: {  	[dreg:$0x4] =	wrdreg $0x9  }
0xb7: {  	_ =	task.clear_ibuf [dreg:s7], $0x5FFFF;
	_ =	strace $0x90000046  }
0xb8: {  	s29 =	simm.s32 $0x9;
	_ =	strace $0x80000048  }
0xb9: {  	_ =	swait.ge [sflag:s29], $0x1  }
0xba: {  	[sflag:s29] =	ssyncadd.s32 $0xFFFFFFFF  }
0xbb: {  	_ =	strace $0x90000048  }
0xbc: {  	_ =	sfence  }
0xbd: {  	s30 =	sld [smem:$0x0];
	_ =	sdelay $0x2  }
0xbe: {  	s31 =	sshll.u32 s1, $0xD;
	s1 =	sshrl.u32 s1, $0x2  }
0xbf: {  	s3 =	sand.u32 $0x4000, s31;
	s1 =	sadd.s32 s1, s30  }
0xc0: {  	s0 =	sor.u32 s3, s0;
	s1 =	sshll.u32 s1, $0x11  }
0xc1: {  	s0 =	sor.u32 s1, s0  }
0xc2: {  	s0 =	sadd.s32 $0x8F2B, s0  }
0xc3: {  	[sflag:s0] =	ssyncadd.remote.s32 $0x1  }
0xc4: {  	_ =	sfence.sel $0xFFFF  }
0xc5: {  	[dreg:$0x0] =	wrdreg $0xFFFFFFFF;
	(pc) =	sbr.abs _section_cstart, $3  }
0xc6: {  	[dreg:$0x1] =	wrdreg $0xFFFFFFFF  }
0xc7: {  	_ =	task.clear_ibuf [dreg:s7], $0x2FFFF;
	_ =	strace $0x9FFFFFFF  }
0xc8: {  	(tm) =	ssettm $0x7FFFFFFF  }
0xc9: {  	_ =	shalt  }
tec
execute0_lowered:
.L_overlay_start_1:
0x0: {  	(tag) =	ssettag $0x1  }
0x1: {  	s5 =	rddreg [dreg:$0x0]  }
0x2: {  	s6 =	rddreg [dreg:$0x1]  }
0x3: {  	s0 =	rddreg [dreg:$0x2];
	s2 =	simm.s32 $0x0;
	s3 =	srdreg.scid  }
0x4: {  	s1 =	stileid.u32;
	s9 =	simm.s32 $0x80;
	s10 =	simm.s32 $0x480  }
0x5: {  	s11 =	simm.s32 $0x100;
	s12 =	simm.s32 $0x500;
	s13 =	simm.s32 $0x180  }
0x6: {  	s14 =	simm.s32 $0x580;
	s15 =	simm.s32 $0x200;
	s16 =	simm.s32 $0x600  }
0x7: {  	s17 =	simm.s32 $0x280;
	s18 =	simm.s32 $0x680;
	s19 =	simm.s32 $0x300  }
0x8: {  	s20 =	simm.s32 $0x700;
	s21 =	simm.s32 $0x380;
	s22 =	simm.s32 $0x780  }
0x9: {  	s23 =	simm.s32 $0x400;
	s24 =	simm.s32 $0x800;
	s25 =	simm.s32 $0x1  }
0xa: {  	[smem:$0x7FF] =	sst s2;
	s3 =	sand.u32 $0x1, s3;
	s4 =	sshll.u32 s1, $0x4  }
0xb: {  	s7 =	ssub.s32 $0x2, s3;
	s3 =	sshll.u32 s3, $0x3;
	_ =	strace $0x80000047  }
0xc: {  	s8 =	sshrl.u32 s7, $0x1;
	s3 =	sor.u32 s3, s4;
	s4 =	sadd.s32 $0x1400, s5  }
0xd: {  	v0 =	vlaneseq.u32;
	s5 =	sadd.s32 $0x1200, s5;
	s7 =	ssub.s32 s7, s8;
	s31 =	sshll.u32 s3, $0x7  }
0xe: {  	v0 =	vmul.u32 $0x2710, v0;
	s8 =	simm.s32 $0x2;
	s6 =	sadd.s32 s6, s31;
	s7 =	smax.u32 s7, $0x1  }
.LBB2_1:
0xf: {  	s26 =	simm.s32 $0x0  }
.LBB2_2:
0x10: {  	s28 =	sadd.s32 s3, s26  }
0x11: {  	s28 =	sshll.u32 s28, $0x1  }
0x12: {  	s29 =	simm.s32 $0x0;
	s28 =	sadd.s32 s5, s28  }
0x13: {  	[tilespmem:s29], [sflag:$0x2] =	stream.linear.gather [hbm4b:s28+s29], $0x10, $0x38;
	[tilespmem:$0x880] =	vst v63  }
0x14: {  	_ =	swait.ge [sflag:s8], $0x10  }
0x15: {  	[sflag:s8] =	ssyncset.done $0x0  }
0x16: {  	[sflag:s8] =	ssyncadd.s32 $0xFFFFFFF0  }
0x17: {  	v1 =	vld [tilespmem:$0x0]  }
0x18: {  	v2 =	vmov s29  }
0x19: {  	v2 =	vmul.u32 $0x2710, v2;
	_ =	sdelay $0x1  }
0x1a: {  	v2 =	vbroadcast v2, $0x0  }
0x1b: {  	v1 =	vadd.s32 v0, v1  }
0x1c: {  	s28 =	simm.s32 $0x80;
	s29 =	simm.s32 $0x10;
	v2 =	vadd.s32 v2, v1  }
.LBB2_3:
0x1d: {  	v3 =	vmov s29;
	p0 =	sne.s32 s29, $0x3F0;
	s29 =	sadd.s32 $0x10, s29;
	[tilespmem:s28+$0x0] =	vst v2  }
.Ltmp0:
0x1e: {  	v2 =	vmul.u32 $0x2710, v3;
	(pc) =	sbr.rel @p0 .LBB2_3-.Ltmp0, $3  }
0x1f: {  	_ = 	snop  }
0x20: {  	v2 =	vbroadcast v2, $0x0;
	_ =	sdelay $0x1  }
0x21: {  	s28 =	sadd.s32 $0x10, s28;
	v2 =	vadd.s32 v2, v1  }
0x22: {  	[tilespmem:s28+$0x0] =	vst v2  }
0x23: {  	[tilespmem:s10], [sflag:$0x1] =	stream.indirect.gather [hbm4b:s4+s9], $0x1, s9, s9, $0xb8;
	[tilespmem:$0x880] =	vst v63  }
0x24: {  	_ = 	snop  }
0x25: {  	[tilespmem:s12], [sflag:$0x1] =	stream.indirect.gather [hbm4b:s4+s9], $0x1, s11, s9, $0xb8;
	[tilespmem:$0x880] =	vst v63  }
0x26: {  	_ = 	snop  }
0x27: {  	[tilespmem:s14], [sflag:$0x1] =	stream.indirect.gather [hbm4b:s4+s9], $0x1, s13, s9, $0xb8;
	[tilespmem:$0x880] =	vst v63  }
0x28: {  	_ = 	snop  }
0x29: {  	[tilespmem:s16], [sflag:$0x1] =	stream.indirect.gather [hbm4b:s4+s9], $0x1, s15, s9, $0xb8;
	[tilespmem:$0x880] =	vst v63  }
0x2a: {  	_ = 	snop  }
0x2b: {  	[tilespmem:s18], [sflag:$0x1] =	stream.indirect.gather [hbm4b:s4+s9], $0x1, s17, s9, $0xb8;
	[tilespmem:$0x880] =	vst v63  }
0x2c: {  	_ = 	snop  }
0x2d: {  	[tilespmem:s20], [sflag:$0x1] =	stream.indirect.gather [hbm4b:s4+s9], $0x1, s19, s9, $0xb8;
	[tilespmem:$0x880] =	vst v63  }
0x2e: {  	_ = 	snop  }
0x2f: {  	[tilespmem:s22], [sflag:$0x1] =	stream.indirect.gather [hbm4b:s4+s9], $0x1, s21, s9, $0xb8;
	[tilespmem:$0x880] =	vst v63  }
0x30: {  	_ = 	snop  }
0x31: {  	[tilespmem:s24], [sflag:$0x1] =	stream.indirect.gather [hbm4b:s4+s9], $0x1, s23, s9, $0xb8;
	[tilespmem:$0x880] =	vst v63  }
0x32: {  	_ =	swait.ge [sflag:s25], $0x80  }
0x33: {  	[sflag:s25] =	ssyncset.done $0x0  }
0x34: {  	[sflag:s25] =	ssyncadd.s32 $0xFFFFFF80  }
0x35: {  	_ =	swait.ge [sflag:s25], $0x80  }
0x36: {  	[sflag:s25] =	ssyncset.done $0x0  }
0x37: {  	[sflag:s25] =	ssyncadd.s32 $0xFFFFFF80  }
0x38: {  	_ =	swait.ge [sflag:s25], $0x80  }
0x39: {  	[sflag:s25] =	ssyncset.done $0x0  }
0x3a: {  	[sflag:s25] =	ssyncadd.s32 $0xFFFFFF80  }
0x3b: {  	_ =	swait.ge [sflag:s25], $0x80  }
0x3c: {  	[sflag:s25] =	ssyncset.done $0x0  }
0x3d: {  	[sflag:s25] =	ssyncadd.s32 $0xFFFFFF80  }
0x3e: {  	_ =	swait.ge [sflag:s25], $0x80  }
0x3f: {  	[sflag:s25] =	ssyncset.done $0x0  }
0x40: {  	[sflag:s25] =	ssyncadd.s32 $0xFFFFFF80  }
0x41: {  	_ =	swait.ge [sflag:s25], $0x80  }
0x42: {  	[sflag:s25] =	ssyncset.done $0x0  }
0x43: {  	[sflag:s25] =	ssyncadd.s32 $0xFFFFFF80  }
0x44: {  	_ =	swait.ge [sflag:s25], $0x80  }
0x45: {  	[sflag:s25] =	ssyncset.done $0x0  }
0x46: {  	[sflag:s25] =	ssyncadd.s32 $0xFFFFFF80  }
0x47: {  	s31 =	sshll.u32 s26, $0x4;
	s26 =	sadd.s32 $0x1, s26;
	_ =	swait.ge [sflag:s25], $0x80  }
0x48: {  	p0 =	sne.s32 s26, $0x8;
	[sflag:s25] =	ssyncset.done $0x0  }
.Ltmp1:
0x49: {  	s28 =	sadd.s32 s31, s6;
	[sflag:s25] =	ssyncadd.s32 $0xFFFFFF80;
	(pc) =	sbr.rel @p0 .LBB2_2-.Ltmp1, $4  }
0x4a: {  	[hbm4b:s28+s9] =	stream.strided.scatter [tilespmem:s10], [sflag:$0x2], $0x400, s23, s9, $0x38;
	[tilespmem:$0x880] =	vst v63  }
0x4b: {  	_ =	swait.ge [sflag:s8], $0x400  }
0x4c: {  	[sflag:s8] =	ssyncset.done $0x0  }
0x4d: {  	[sflag:s8] =	ssyncadd.s32 $0xFFFFFC00  }
0x4e: {  	s2 =	sadd.s32 $0x1, s2  }
0x4f: {  	p0 =	sne.s32 s2, s7  }
.Ltmp2:
0x50: {  	_ = 	snop;
	(pc) =	sbr.rel @p0 .LBB2_1-.Ltmp2, $1  }
0x51: {  	_ =	sdelay $0x3  }
0x52: {  	_ =	sfence.sel $0x180000  }
0x53: {  	[bflag:$0x0] =	sbarrier.arrive $0xFFFF  }
0x54: {  	p0 =	sne.s32 s1, $0x0;
	_ =	strace $0x90000047  }
0x55: {  	s0 =	sadd.s32 @!p0 $0x100000, s0;
	[bflag:$0x2] =	sbarrier.arrive $0xFFFF  }
0x56: {  	[sflag:s0] =	ssyncadd.tile.s32 @!p0 $0x1;
	_ =	shalt  }
.Lfunc_end2:
_tile_overlayer_lowered:
.L_overlay_start_2:
0x57: {  	(tag) =	ssettag $0x2  }
0x58: {  	s0 =	rddreg [dreg:$0x0];
	s2 =	stileid.u32  }
0x59: {  	s1 =	rddreg [dreg:$0x1];
	p0 =	sne.s32 s2, $0x0  }
0x5a: {  	s3 =	rddreg [dreg:$0x2];
	[bflag:$0x3] =	sbarrier.arrive $0xFFFF;
	s2 =	simm.s32 @!p0 $0x1C02  }
0x5b: {  	[timem:s3], [sflag:s2] =	dma.local @!p0 [hbm:s0], s1  }
0x5c: {  	s0 =	simm.s32 @!p0 $0x2  }
0x5d: {  	_ =	swait.ge @!p0 [sflag:s0], s1  }
0x5e: {  	s1 =	ssub.s32 @!p0 $0x0, s1;
	[sflag:s0] =	ssyncset.done @!p0 $0x0  }
0x5f: {  	[sflag:s0] =	ssyncadd.s32 @!p0 s1  }
0x60: {  	[bflag:$0x3] =	sbarrier.arrive $0xFFFF  }
0x61: {  	_ =	shalt  }

</sc_bundles>
